<compile_context>
chip_gen: v7x
topology: tpu7x:2x2x1
jax: 0.10.2.dev20260603
libtpu: 0.0.44.dev20260713+nightly
codegen_flags: <defaults>
</compile_context>

<pallas_src>
import functools

import jax
import jax.numpy as jnp
from jax import lax
from jax.experimental import pallas as pl
from jax.experimental.pallas import tpu as pltpu
from jax.experimental.pallas import tpu_sc as plsc

B = 16384
D = 32
N = 1000000
HIDDEN = 64
PD = 2 * HIDDEN
CB = 12288
SUB = CB // 4
PGRID = -(-N // CB)
ROWS = PGRID * SUB
NC = 2
NS = 16
NW = NC * NS
BPW = B // NW
CHUNK = 128
NCH = BPW // CHUNK

MB = 2048


def _premul_body(t_ref, w_ref, out_ref):
    cdims = (((0,), (0,)), ((), ()))
    t = t_ref[...].astype(jnp.bfloat16)
    w = w_ref[...].astype(jnp.bfloat16)
    q = []
    for k in range(4):
        r = lax.dot_general(t[:, k * SUB:(k + 1) * SUB], w, cdims,
                            preferred_element_type=jnp.float32)
        u16 = lax.bitcast_convert_type(r.astype(jnp.bfloat16), jnp.uint16)
        q.append(u16.astype(jnp.uint32))
    out_ref[:, :HIDDEN] = lax.bitcast_convert_type(
        q[0] | (q[1] << 16), jnp.int32)
    out_ref[:, HIDDEN:] = lax.bitcast_convert_type(
        q[2] | (q[3] << 16), jnp.int32)


def _premul(tabT, w):
    return pl.pallas_call(
        _premul_body,
        grid=(PGRID,),
        in_specs=[
            pl.BlockSpec((D, CB), lambda j: (0, j)),
            pl.BlockSpec((D, HIDDEN), lambda j: (0, 0)),
        ],
        out_specs=pl.BlockSpec((SUB, PD), lambda j: (j, 0)),
        out_shape=jax.ShapeDtypeStruct((ROWS, PD), jnp.int32),
        compiler_params=pltpu.CompilerParams(
            fuse_transposed_lhs_in_matmul=True),
    )(tabT, w)


def _sc_gather(gidx2d, tab):
    mesh = plsc.VectorSubcoreMesh(core_axis_name="c", subcore_axis_name="s")

    @functools.partial(
        pl.kernel,
        mesh=mesh,
        out_type=jax.ShapeDtypeStruct((B, PD), jnp.int32),
        scratch_types=[
            pltpu.VMEM((NCH, CHUNK), jnp.int32),
            pltpu.VMEM((2, CHUNK, PD), jnp.int32),
            pltpu.SemaphoreType.DMA,
            pltpu.SemaphoreType.DMA,
            pltpu.SemaphoreType.DMA,
            pltpu.SemaphoreType.DMA,
        ],
    )
    def gather_kernel(idx_hbm, tab_hbm, out_hbm,
                      idx_v, buf_v, gsem0, gsem1, osem0, osem1):
        wid = lax.axis_index("s") * NC + lax.axis_index("c")
        pltpu.sync_copy(idx_hbm.at[pl.ds(wid * NCH, NCH)], idx_v)
        base = wid * BPW
        gsems = (gsem0, gsem1)
        osems = (osem0, osem1)

        def gath(j):
            return pltpu.async_copy(
                tab_hbm.at[idx_v.at[j]], buf_v.at[j % 2], gsems[j % 2])

        def out(j):
            return pltpu.async_copy(
                buf_v.at[j % 2],
                out_hbm.at[pl.ds(base + j * CHUNK, CHUNK)], osems[j % 2])

        gc = [None] * NCH
        oc = [None] * NCH
        gc[0] = gath(0)
        gc[1] = gath(1)
        for j in range(NCH):
            gc[j].wait()
            oc[j] = out(j)
            if j + 2 < NCH:
                oc[j].wait()
                gc[j + 2] = gath(j + 2)
        for j in range(NCH - 2, NCH):
            oc[j].wait()

    return gather_kernel(gidx2d, tab)


def _unpack4(p128_ref):
    vals = []
    for a in range(2):
        h = lax.bitcast_convert_type(
            p128_ref[:, a * HIDDEN:(a + 1) * HIDDEN], jnp.uint32)
        vals.append(lax.bitcast_convert_type(h << 16, jnp.float32))
        vals.append(lax.bitcast_convert_type(
            h & jnp.uint32(0xFFFF0000), jnp.float32))
    return vals


def _mlp_body(u128_ref, d128_ref, ku_ref, kd_ref, img_ref,
              w1i_ref, b1_ref, w2t_ref, b2_ref, out_ref):
    ku = ku_ref[...]
    kd = kd_ref[...]
    acc = jnp.dot(img_ref[...], w1i_ref[...], preferred_element_type=jnp.float32)
    uq = _unpack4(u128_ref)
    dq = _unpack4(d128_ref)
    for k in range(4):
        acc = acc + jnp.where(ku == k, uq[k], 0.0)
        acc = acc + jnp.where(kd == k, dq[k], 0.0)
    h = jnp.maximum(acc + b1_ref[...], 0.0)
    out_ref[...] = jnp.sum(h * w2t_ref[...], axis=1) + b2_ref[0]


def kernel(user_idx, deal_idx, image_vec, user_table, deal_table, W1, b1, W2, b2):
    uidx = user_idx.astype(jnp.int32)
    didx = deal_idx.astype(jnp.int32)
    ugidx2d = ((uidx // CB) * SUB + uidx % SUB).reshape(B // CHUNK, CHUNK)
    dgidx2d = ((didx // CB) * SUB + didx % SUB).reshape(B // CHUNK, CHUNK)

    w1u, w1d, w1i = W1[:D], W1[D:2 * D], W1[2 * D:]
    utw = _premul(user_table.T, w1u)
    u128 = _sc_gather(ugidx2d, utw)
    dtw = _premul(deal_table.T, w1d)
    d128 = _sc_gather(dgidx2d, dtw)

    ku2d = ((uidx % CB) // SUB).reshape(B, 1)
    kd2d = ((didx % CB) // SUB).reshape(B, 1)
    b1r = b1.reshape(1, HIDDEN)
    w2t = W2.reshape(1, HIDDEN)

    score = pl.pallas_call(
        _mlp_body,
        grid=(B // MB,),
        in_specs=[
            pl.BlockSpec((MB, PD), lambda i: (i, 0)),
            pl.BlockSpec((MB, PD), lambda i: (i, 0)),
            pl.BlockSpec((MB, 1), lambda i: (i, 0)),
            pl.BlockSpec((MB, 1), lambda i: (i, 0)),
            pl.BlockSpec((MB, D), lambda i: (i, 0)),
            pl.BlockSpec((D, HIDDEN), lambda i: (0, 0)),
            pl.BlockSpec((1, HIDDEN), lambda i: (0, 0)),
            pl.BlockSpec((1, HIDDEN), lambda i: (0, 0)),
            pl.BlockSpec(memory_space=pltpu.SMEM),
        ],
        out_specs=pl.BlockSpec((MB,), lambda i: (i,)),
        out_shape=jax.ShapeDtypeStruct((B,), jnp.float32),
    )(u128, d128, ku2d, kd2d, image_vec, w1i, b1r, w2t, b2)
    return score

# --- scband reference (transcript-rebuilt; emitter-appended) ---
"""Pipeline reference for scband-rec-net-61555471286641 (READ-ONLY COPY).

The authoritative reference and input builder live on the scoring server;
editing this copy changes nothing except your own understanding.
"""

import jax, jax.numpy as jnp
import numpy as np

NUM_USERS = 1000000
NUM_DEALS = 1000000
EMB_USER = 32
EMB_DEAL = 32
EMB_IMG = 32
HIDDEN = 64
BATCH = 16384


def setup_inputs(seed: int = 0) -> dict:
    key = jax.random.key(seed)
    k1, k2, k3, k4, k5, k6, k7, k8, k9 = jax.random.split(key, 9)
    user_idx = jax.random.randint(k1, (BATCH,), 0, NUM_USERS, dtype=jnp.int64 if jax.config.jax_enable_x64 else jnp.int32)
    deal_idx = jax.random.randint(k2, (BATCH,), 0, NUM_DEALS, dtype=jnp.int64 if jax.config.jax_enable_x64 else jnp.int32)
    image_vec = jax.random.normal(k3, (BATCH, EMB_IMG), dtype=jnp.float32)
    user_table = jax.random.normal(k4, (NUM_USERS, EMB_USER), dtype=jnp.float32)
    deal_table = jax.random.normal(k5, (NUM_DEALS, EMB_DEAL), dtype=jnp.float32)
    in_dim = EMB_USER + EMB_DEAL + EMB_IMG
    W1 = jax.random.normal(k6, (in_dim, HIDDEN), dtype=jnp.float32) * (1.0 / np.sqrt(in_dim))
    b1 = jnp.zeros((HIDDEN,), dtype=jnp.float32)
    W2 = jax.random.normal(k7, (HIDDEN, 1), dtype=jnp.float32) * (1.0 / np.sqrt(HIDDEN))
    b2 = jnp.zeros((1,), dtype=jnp.float32)
    return {
        "user_idx": user_idx,
        "deal_idx": deal_idx,
        "image_vec": image_vec,
        "user_table": user_table,
        "deal_table": deal_table,
        "W1": W1,
        "b1": b1,
        "W2": W2,
        "b2": b2,
    }


def reference(user_idx, deal_idx, image_vec, user_table, deal_table, W1, b1, W2, b2):
    u = jnp.take(user_table, user_idx, axis=0)
    d = jnp.take(deal_table, deal_idx, axis=0)
    x = jnp.concatenate([u, d, image_vec], axis=-1)
    h = jnp.maximum(x @ W1 + b1, 0.0)
    score = (h @ W2 + b2).squeeze(-1)
    return score

if __name__ == "__main__":
    import jax
    _d = setup_inputs()
    print(jax.jit(kernel)(*tuple(_d.values())))

</pallas_src>

<mosaic_0001>
#map = affine_map<(d0, d1) -> (0, 0)>
module attributes {stable_mosaic.version = 14 : i64} {
  func.func @gather_kernel(%arg0: i32, %arg1: i32, %arg2: memref<128x128xi32, #tpu.memory_space<hbm>>, %arg3: memref<251904x128xi32, #tpu.memory_space<hbm>>, %arg4: memref<16384x128xi32, #tpu.memory_space<hbm>>, %arg5: memref<4x128xi32, #tpu.memory_space<vmem>>, %arg6: memref<2x128x128xi32, #tpu.memory_space<vmem>>, %arg7: memref<!tpu.dma_semaphore, #tpu.memory_space<semaphore_mem>>, %arg8: memref<!tpu.dma_semaphore, #tpu.memory_space<semaphore_mem>>, %arg9: memref<!tpu.dma_semaphore, #tpu.memory_space<semaphore_mem>>, %arg10: memref<!tpu.dma_semaphore, #tpu.memory_space<semaphore_mem>>) attributes {dimension_semantics = [#tpu.dimension_semantics<core_parallel>, #tpu.dimension_semantics<subcore_parallel>], iteration_bounds = array<i64: 2, 16>, scalar_prefetch = 0 : i64, scratch_operands = 6 : i64, tpu.core_type = #tpu.core_type<sc_vector_subcore>, window_params = [{transform_indices = #map}, {transform_indices = #map}, {transform_indices = #map}]} {
    %mul3A = arith.constant 2 : i32
    %mul3A_0 = arith.muli %arg1, %mul3A : i32
    %add3A = arith.addi %mul3A_0, %arg0 : i32
    %mul3A_1 = arith.constant 4 : i32
    %mul3A_2 = arith.muli %add3A, %mul3A_1 : i32
    "tpu.region"() ({
      %run_scoped3A = tpu.sem_alloc : memref<!tpu.dma_semaphore, #tpu.memory_space<semaphore_mem>>
      %dma_start3A_211 = arith.constant 0 : i32
      %dma_start3A_212 = tpu.memref_slice %arg2[%mul3A_2, %dma_start3A_211] : memref<128x128xi32, #tpu.memory_space<hbm>> -> memref<4x128xi32, #tpu.memory_space<hbm>>
      %dma_start3A_213 = arith.constant 0 : i32
      %dma_start3A_214 = tpu.memref_slice %arg2[%mul3A_2, %dma_start3A_213] : memref<128x128xi32, #tpu.memory_space<hbm>> -> memref<4x128xi32, #tpu.memory_space<hbm>>
      tpu.enqueue_dma source(%dma_start3A_214 : memref<4x128xi32, #tpu.memory_space<hbm>>) target(%arg5 : memref<4x128xi32, #tpu.memory_space<vmem>>) target_semaphore(%run_scoped3A : memref<!tpu.dma_semaphore, #tpu.memory_space<semaphore_mem>>)
      %dma_wait3A_215 = arith.constant 0 : i32
      %dma_wait3A_216 = tpu.memref_slice %arg2[%mul3A_2, %dma_wait3A_215] : memref<128x128xi32, #tpu.memory_space<hbm>> -> memref<4x128xi32, #tpu.memory_space<hbm>>
      %dma_wait3A_217 = arith.constant 0 : i32
      %dma_wait3A_218 = tpu.memref_slice %arg2[%mul3A_2, %dma_wait3A_217] : memref<128x128xi32, #tpu.memory_space<hbm>> -> memref<4x128xi32, #tpu.memory_space<hbm>>
      tpu.wait_dma2 semaphore(%run_scoped3A : memref<!tpu.dma_semaphore, #tpu.memory_space<semaphore_mem>>) src(%dma_wait3A_218 : memref<4x128xi32, #tpu.memory_space<hbm>>) dst(%arg5 : memref<4x128xi32, #tpu.memory_space<vmem>>)
      tpu.yield
    }) : () -> ()
    %mul3A_3 = arith.constant 512 : i32
    %mul3A_4 = arith.muli %add3A, %mul3A_3 : i32
    %dma_start3A = arith.constant 0 : i32
    %dma_start3A_5 = arith.constant 0 : i32
    %dma_start3A_6 = arith.constant 0 : i32
    %dma_start3A_7 = arith.constant 0 : i32
    %dma_start3A_8 = tpu.memref_slice %arg6[%dma_start3A_5, %dma_start3A_6, %dma_start3A_7] : memref<2x128x128xi32, #tpu.memory_space<vmem>> -> memref<1x128x128xi32, #tpu.memory_space<vmem>>
    %dma_start3A_9 = tpu.memref_squeeze %dma_start3A_8 : memref<1x128x128xi32, #tpu.memory_space<vmem>> -> memref<128x128xi32, #tpu.memory_space<vmem>>
    %dma_start3A_10 = arith.constant 0 : i32
    %dma_start3A_11 = tpu.memref_slice %arg5[%dma_start3A, %dma_start3A_10] : memref<4x128xi32, #tpu.memory_space<vmem>> -> memref<1x128xi32, #tpu.memory_space<vmem>>
    %dma_start3A_12 = tpu.memref_squeeze %dma_start3A_11 : memref<1x128xi32, #tpu.memory_space<vmem>> -> memref<128xi32, #tpu.memory_space<vmem>>
    %dma_start3A_13 = arith.constant 0 : i32
    %dma_start3A_14 = arith.constant 0 : i32
    %dma_start3A_15 = tpu.memref_slice %arg3[%dma_start3A_13, %dma_start3A_14] : memref<251904x128xi32, #tpu.memory_space<hbm>> -> memref<251904x128xi32, #tpu.memory_space<hbm>>
    tpu.enqueue_indirect_dma source(%dma_start3A_15 : memref<251904x128xi32, #tpu.memory_space<hbm>>) target(%dma_start3A_9 : memref<128x128xi32, #tpu.memory_space<vmem>>) offsets(%dma_start3A_12 : memref<128xi32, #tpu.memory_space<vmem>>) semaphore(%arg7 : memref<!tpu.dma_semaphore, #tpu.memory_space<semaphore_mem>>)
    %dma_start3A_16 = arith.constant 1 : i32
    %dma_start3A_17 = arith.constant 1 : i32
    %dma_start3A_18 = arith.constant 0 : i32
    %dma_start3A_19 = arith.constant 0 : i32
    %dma_start3A_20 = tpu.memref_slice %arg6[%dma_start3A_17, %dma_start3A_18, %dma_start3A_19] : memref<2x128x128xi32, #tpu.memory_space<vmem>> -> memref<1x128x128xi32, #tpu.memory_space<vmem>>
    %dma_start3A_21 = tpu.memref_squeeze %dma_start3A_20 : memref<1x128x128xi32, #tpu.memory_space<vmem>> -> memref<128x128xi32, #tpu.memory_space<vmem>>
    %dma_start3A_22 = arith.constant 0 : i32
    %dma_start3A_23 = tpu.memref_slice %arg5[%dma_start3A_16, %dma_start3A_22] : memref<4x128xi32, #tpu.memory_space<vmem>> -> memref<1x128xi32, #tpu.memory_space<vmem>>
    %dma_start3A_24 = tpu.memref_squeeze %dma_start3A_23 : memref<1x128xi32, #tpu.memory_space<vmem>> -> memref<128xi32, #tpu.memory_space<vmem>>
    %dma_start3A_25 = arith.constant 0 : i32
    %dma_start3A_26 = arith.constant 0 : i32
    %dma_start3A_27 = tpu.memref_slice %arg3[%dma_start3A_25, %dma_start3A_26] : memref<251904x128xi32, #tpu.memory_space<hbm>> -> memref<251904x128xi32, #tpu.memory_space<hbm>>
    tpu.enqueue_indirect_dma source(%dma_start3A_27 : memref<251904x128xi32, #tpu.memory_space<hbm>>) target(%dma_start3A_21 : memref<128x128xi32, #tpu.memory_space<vmem>>) offsets(%dma_start3A_24 : memref<128xi32, #tpu.memory_space<vmem>>) semaphore(%arg8 : memref<!tpu.dma_semaphore, #tpu.memory_space<semaphore_mem>>)
    %dma_wait3A = arith.constant 0 : i32
    %dma_wait3A_28 = arith.constant 0 : i32
    %dma_wait3A_29 = arith.constant 0 : i32
    %dma_wait3A_30 = arith.constant 0 : i32
    %dma_wait3A_31 = tpu.memref_slice %arg6[%dma_wait3A_28, %dma_wait3A_29, %dma_wait3A_30] : memref<2x128x128xi32, #tpu.memory_space<vmem>> -> memref<1x128x128xi32, #tpu.memory_space<vmem>>
    %dma_wait3A_32 = tpu.memref_squeeze %dma_wait3A_31 : memref<1x128x128xi32, #tpu.memory_space<vmem>> -> memref<128x128xi32, #tpu.memory_space<vmem>>
    %dma_wait3A_33 = arith.constant 0 : i32
    %dma_wait3A_34 = tpu.memref_slice %arg5[%dma_wait3A, %dma_wait3A_33] : memref<4x128xi32, #tpu.memory_space<vmem>> -> memref<1x128xi32, #tpu.memory_space<vmem>>
    %dma_wait3A_35 = tpu.memref_squeeze %dma_wait3A_34 : memref<1x128xi32, #tpu.memory_space<vmem>> -> memref<128xi32, #tpu.memory_space<vmem>>
    %dma_wait3A_36 = arith.constant 0 : i32
    %dma_wait3A_37 = arith.constant 0 : i32
    %dma_wait3A_38 = tpu.memref_slice %arg3[%dma_wait3A_36, %dma_wait3A_37] : memref<251904x128xi32, #tpu.memory_space<hbm>> -> memref<251904x128xi32, #tpu.memory_space<hbm>>
    tpu.wait_indirect_dma semaphore(%arg7 : memref<!tpu.dma_semaphore, #tpu.memory_space<semaphore_mem>>) src(%dma_wait3A_38 : memref<251904x128xi32, #tpu.memory_space<hbm>>) dst(%dma_wait3A_32 : memref<128x128xi32, #tpu.memory_space<vmem>>)
    %add3A_39 = arith.constant 0 : i32
    %add3A_40 = arith.addi %mul3A_4, %add3A_39 : i32
    %dma_start3A_41 = arith.constant 0 : i32
    %dma_start3A_42 = arith.constant 0 : i32
    %dma_start3A_43 = arith.constant 0 : i32
    %dma_start3A_44 = tpu.memref_slice %arg6[%dma_start3A_41, %dma_start3A_42, %dma_start3A_43] : memref<2x128x128xi32, #tpu.memory_space<vmem>> -> memref<1x128x128xi32, #tpu.memory_space<vmem>>
    %dma_start3A_45 = tpu.memref_squeeze %dma_start3A_44 : memref<1x128x128xi32, #tpu.memory_space<vmem>> -> memref<128x128xi32, #tpu.memory_space<vmem>>
    %dma_start3A_46 = arith.constant 0 : i32
    %dma_start3A_47 = tpu.memref_slice %arg4[%add3A_40, %dma_start3A_46] : memref<16384x128xi32, #tpu.memory_space<hbm>> -> memref<128x128xi32, #tpu.memory_space<hbm>>
    %dma_start3A_48 = arith.constant 0 : i32
    %dma_start3A_49 = tpu.memref_slice %arg4[%add3A_40, %dma_start3A_48] : memref<16384x128xi32, #tpu.memory_space<hbm>> -> memref<128x128xi32, #tpu.memory_space<hbm>>
    %dma_start3A_50 = arith.constant 0 : i32
    %dma_start3A_51 = arith.constant 0 : i32
    %dma_start3A_52 = tpu.memref_slice %arg6[%dma_start3A_41, %dma_start3A_50, %dma_start3A_51] : memref<2x128x128xi32, #tpu.memory_space<vmem>> -> memref<1x128x128xi32, #tpu.memory_space<vmem>>
    %dma_start3A_53 = tpu.memref_squeeze %dma_start3A_52 : memref<1x128x128xi32, #tpu.memory_space<vmem>> -> memref<128x128xi32, #tpu.memory_space<vmem>>
    tpu.enqueue_dma source(%dma_start3A_53 : memref<128x128xi32, #tpu.memory_space<vmem>>) target(%dma_start3A_49 : memref<128x128xi32, #tpu.memory_space<hbm>>) target_semaphore(%arg9 : memref<!tpu.dma_semaphore, #tpu.memory_space<semaphore_mem>>)
    %dma_wait3A_54 = arith.constant 0 : i32
    %dma_wait3A_55 = arith.constant 0 : i32
    %dma_wait3A_56 = arith.constant 0 : i32
    %dma_wait3A_57 = tpu.memref_slice %arg6[%dma_wait3A_54, %dma_wait3A_55, %dma_wait3A_56] : memref<2x128x128xi32, #tpu.memory_space<vmem>> -> memref<1x128x128xi32, #tpu.memory_space<vmem>>
    %dma_wait3A_58 = tpu.memref_squeeze %dma_wait3A_57 : memref<1x128x128xi32, #tpu.memory_space<vmem>> -> memref<128x128xi32, #tpu.memory_space<vmem>>
    %dma_wait3A_59 = arith.constant 0 : i32
    %dma_wait3A_60 = tpu.memref_slice %arg4[%add3A_40, %dma_wait3A_59] : memref<16384x128xi32, #tpu.memory_space<hbm>> -> memref<128x128xi32, #tpu.memory_space<hbm>>
    %dma_wait3A_61 = arith.constant 0 : i32
    %dma_wait3A_62 = tpu.memref_slice %arg4[%add3A_40, %dma_wait3A_61] : memref<16384x128xi32, #tpu.memory_space<hbm>> -> memref<128x128xi32, #tpu.memory_space<hbm>>
    %dma_wait3A_63 = arith.constant 0 : i32
    %dma_wait3A_64 = arith.constant 0 : i32
    %dma_wait3A_65 = tpu.memref_slice %arg6[%dma_wait3A_54, %dma_wait3A_63, %dma_wait3A_64] : memref<2x128x128xi32, #tpu.memory_space<vmem>> -> memref<1x128x128xi32, #tpu.memory_space<vmem>>
    %dma_wait3A_66 = tpu.memref_squeeze %dma_wait3A_65 : memref<1x128x128xi32, #tpu.memory_space<vmem>> -> memref<128x128xi32, #tpu.memory_space<vmem>>
    tpu.wait_dma2 semaphore(%arg9 : memref<!tpu.dma_semaphore, #tpu.memory_space<semaphore_mem>>) src(%dma_wait3A_66 : memref<128x128xi32, #tpu.memory_space<vmem>>) dst(%dma_wait3A_62 : memref<128x128xi32, #tpu.memory_space<hbm>>)
    %dma_start3A_67 = arith.constant 2 : i32
    %dma_start3A_68 = arith.constant 0 : i32
    %dma_start3A_69 = arith.constant 0 : i32
    %dma_start3A_70 = arith.constant 0 : i32
    %dma_start3A_71 = tpu.memref_slice %arg6[%dma_start3A_68, %dma_start3A_69, %dma_start3A_70] : memref<2x128x128xi32, #tpu.memory_space<vmem>> -> memref<1x128x128xi32, #tpu.memory_space<vmem>>
    %dma_start3A_72 = tpu.memref_squeeze %dma_start3A_71 : memref<1x128x128xi32, #tpu.memory_space<vmem>> -> memref<128x128xi32, #tpu.memory_space<vmem>>
    %dma_start3A_73 = arith.constant 0 : i32
    %dma_start3A_74 = tpu.memref_slice %arg5[%dma_start3A_67, %dma_start3A_73] : memref<4x128xi32, #tpu.memory_space<vmem>> -> memref<1x128xi32, #tpu.memory_space<vmem>>
    %dma_start3A_75 = tpu.memref_squeeze %dma_start3A_74 : memref<1x128xi32, #tpu.memory_space<vmem>> -> memref<128xi32, #tpu.memory_space<vmem>>
    %dma_start3A_76 = arith.constant 0 : i32
    %dma_start3A_77 = arith.constant 0 : i32
    %dma_start3A_78 = tpu.memref_slice %arg3[%dma_start3A_76, %dma_start3A_77] : memref<251904x128xi32, #tpu.memory_space<hbm>> -> memref<251904x128xi32, #tpu.memory_space<hbm>>
    tpu.enqueue_indirect_dma source(%dma_start3A_78 : memref<251904x128xi32, #tpu.memory_space<hbm>>) target(%dma_start3A_72 : memref<128x128xi32, #tpu.memory_space<vmem>>) offsets(%dma_start3A_75 : memref<128xi32, #tpu.memory_space<vmem>>) semaphore(%arg7 : memref<!tpu.dma_semaphore, #tpu.memory_space<semaphore_mem>>)
    %dma_wait3A_79 = arith.constant 1 : i32
    %dma_wait3A_80 = arith.constant 1 : i32
    %dma_wait3A_81 = arith.constant 0 : i32
    %dma_wait3A_82 = arith.constant 0 : i32
    %dma_wait3A_83 = tpu.memref_slice %arg6[%dma_wait3A_80, %dma_wait3A_81, %dma_wait3A_82] : memref<2x128x128xi32, #tpu.memory_space<vmem>> -> memref<1x128x128xi32, #tpu.memory_space<vmem>>
    %dma_wait3A_84 = tpu.memref_squeeze %dma_wait3A_83 : memref<1x128x128xi32, #tpu.memory_space<vmem>> -> memref<128x128xi32, #tpu.memory_space<vmem>>
    %dma_wait3A_85 = arith.constant 0 : i32
    %dma_wait3A_86 = tpu.memref_slice %arg5[%dma_wait3A_79, %dma_wait3A_85] : memref<4x128xi32, #tpu.memory_space<vmem>> -> memref<1x128xi32, #tpu.memory_space<vmem>>
    %dma_wait3A_87 = tpu.memref_squeeze %dma_wait3A_86 : memref<1x128xi32, #tpu.memory_space<vmem>> -> memref<128xi32, #tpu.memory_space<vmem>>
    %dma_wait3A_88 = arith.constant 0 : i32
    %dma_wait3A_89 = arith.constant 0 : i32
    %dma_wait3A_90 = tpu.memref_slice %arg3[%dma_wait3A_88, %dma_wait3A_89] : memref<251904x128xi32, #tpu.memory_space<hbm>> -> memref<251904x128xi32, #tpu.memory_space<hbm>>
    tpu.wait_indirect_dma semaphore(%arg8 : memref<!tpu.dma_semaphore, #tpu.memory_space<semaphore_mem>>) src(%dma_wait3A_90 : memref<251904x128xi32, #tpu.memory_space<hbm>>) dst(%dma_wait3A_84 : memref<128x128xi32, #tpu.memory_space<vmem>>)
    %add3A_91 = arith.constant 128 : i32
    %add3A_92 = arith.addi %mul3A_4, %add3A_91 : i32
    %dma_start3A_93 = arith.constant 1 : i32
    %dma_start3A_94 = arith.constant 0 : i32
    %dma_start3A_95 = arith.constant 0 : i32
    %dma_start3A_96 = tpu.memref_slice %arg6[%dma_start3A_93, %dma_start3A_94, %dma_start3A_95] : memref<2x128x128xi32, #tpu.memory_space<vmem>> -> memref<1x128x128xi32, #tpu.memory_space<vmem>>
    %dma_start3A_97 = tpu.memref_squeeze %dma_start3A_96 : memref<1x128x128xi32, #tpu.memory_space<vmem>> -> memref<128x128xi32, #tpu.memory_space<vmem>>
    %dma_start3A_98 = arith.constant 0 : i32
    %dma_start3A_99 = tpu.memref_slice %arg4[%add3A_92, %dma_start3A_98] : memref<16384x128xi32, #tpu.memory_space<hbm>> -> memref<128x128xi32, #tpu.memory_space<hbm>>
    %dma_start3A_100 = arith.constant 0 : i32
    %dma_start3A_101 = tpu.memref_slice %arg4[%add3A_92, %dma_start3A_100] : memref<16384x128xi32, #tpu.memory_space<hbm>> -> memref<128x128xi32, #tpu.memory_space<hbm>>
    %dma_start3A_102 = arith.constant 0 : i32
    %dma_start3A_103 = arith.constant 0 : i32
    %dma_start3A_104 = tpu.memref_slice %arg6[%dma_start3A_93, %dma_start3A_102, %dma_start3A_103] : memref<2x128x128xi32, #tpu.memory_space<vmem>> -> memref<1x128x128xi32, #tpu.memory_space<vmem>>
    %dma_start3A_105 = tpu.memref_squeeze %dma_start3A_104 : memref<1x128x128xi32, #tpu.memory_space<vmem>> -> memref<128x128xi32, #tpu.memory_space<vmem>>
    tpu.enqueue_dma source(%dma_start3A_105 : memref<128x128xi32, #tpu.memory_space<vmem>>) target(%dma_start3A_101 : memref<128x128xi32, #tpu.memory_space<hbm>>) target_semaphore(%arg10 : memref<!tpu.dma_semaphore, #tpu.memory_space<semaphore_mem>>)
    %dma_wait3A_106 = arith.constant 1 : i32
    %dma_wait3A_107 = arith.constant 0 : i32
    %dma_wait3A_108 = arith.constant 0 : i32
    %dma_wait3A_109 = tpu.memref_slice %arg6[%dma_wait3A_106, %dma_wait3A_107, %dma_wait3A_108] : memref<2x128x128xi32, #tpu.memory_space<vmem>> -> memref<1x128x128xi32, #tpu.memory_space<vmem>>
    %dma_wait3A_110 = tpu.memref_squeeze %dma_wait3A_109 : memref<1x128x128xi32, #tpu.memory_space<vmem>> -> memref<128x128xi32, #tpu.memory_space<vmem>>
    %dma_wait3A_111 = arith.constant 0 : i32
    %dma_wait3A_112 = tpu.memref_slice %arg4[%add3A_92, %dma_wait3A_111] : memref<16384x128xi32, #tpu.memory_space<hbm>> -> memref<128x128xi32, #tpu.memory_space<hbm>>
    %dma_wait3A_113 = arith.constant 0 : i32
    %dma_wait3A_114 = tpu.memref_slice %arg4[%add3A_92, %dma_wait3A_113] : memref<16384x128xi32, #tpu.memory_space<hbm>> -> memref<128x128xi32, #tpu.memory_space<hbm>>
    %dma_wait3A_115 = arith.constant 0 : i32
    %dma_wait3A_116 = arith.constant 0 : i32
    %dma_wait3A_117 = tpu.memref_slice %arg6[%dma_wait3A_106, %dma_wait3A_115, %dma_wait3A_116] : memref<2x128x128xi32, #tpu.memory_space<vmem>> -> memref<1x128x128xi32, #tpu.memory_space<vmem>>
    %dma_wait3A_118 = tpu.memref_squeeze %dma_wait3A_117 : memref<1x128x128xi32, #tpu.memory_space<vmem>> -> memref<128x128xi32, #tpu.memory_space<vmem>>
    tpu.wait_dma2 semaphore(%arg10 : memref<!tpu.dma_semaphore, #tpu.memory_space<semaphore_mem>>) src(%dma_wait3A_118 : memref<128x128xi32, #tpu.memory_space<vmem>>) dst(%dma_wait3A_114 : memref<128x128xi32, #tpu.memory_space<hbm>>)
    %dma_start3A_119 = arith.constant 3 : i32
    %dma_start3A_120 = arith.constant 1 : i32
    %dma_start3A_121 = arith.constant 0 : i32
    %dma_start3A_122 = arith.constant 0 : i32
    %dma_start3A_123 = tpu.memref_slice %arg6[%dma_start3A_120, %dma_start3A_121, %dma_start3A_122] : memref<2x128x128xi32, #tpu.memory_space<vmem>> -> memref<1x128x128xi32, #tpu.memory_space<vmem>>
    %dma_start3A_124 = tpu.memref_squeeze %dma_start3A_123 : memref<1x128x128xi32, #tpu.memory_space<vmem>> -> memref<128x128xi32, #tpu.memory_space<vmem>>
    %dma_start3A_125 = arith.constant 0 : i32
    %dma_start3A_126 = tpu.memref_slice %arg5[%dma_start3A_119, %dma_start3A_125] : memref<4x128xi32, #tpu.memory_space<vmem>> -> memref<1x128xi32, #tpu.memory_space<vmem>>
    %dma_start3A_127 = tpu.memref_squeeze %dma_start3A_126 : memref<1x128xi32, #tpu.memory_space<vmem>> -> memref<128xi32, #tpu.memory_space<vmem>>
    %dma_start3A_128 = arith.constant 0 : i32
    %dma_start3A_129 = arith.constant 0 : i32
    %dma_start3A_130 = tpu.memref_slice %arg3[%dma_start3A_128, %dma_start3A_129] : memref<251904x128xi32, #tpu.memory_space<hbm>> -> memref<251904x128xi32, #tpu.memory_space<hbm>>
    tpu.enqueue_indirect_dma source(%dma_start3A_130 : memref<251904x128xi32, #tpu.memory_space<hbm>>) target(%dma_start3A_124 : memref<128x128xi32, #tpu.memory_space<vmem>>) offsets(%dma_start3A_127 : memref<128xi32, #tpu.memory_space<vmem>>) semaphore(%arg8 : memref<!tpu.dma_semaphore, #tpu.memory_space<semaphore_mem>>)
    %dma_wait3A_131 = arith.constant 2 : i32
    %dma_wait3A_132 = arith.constant 0 : i32
    %dma_wait3A_133 = arith.constant 0 : i32
    %dma_wait3A_134 = arith.constant 0 : i32
    %dma_wait3A_135 = tpu.memref_slice %arg6[%dma_wait3A_132, %dma_wait3A_133, %dma_wait3A_134] : memref<2x128x128xi32, #tpu.memory_space<vmem>> -> memref<1x128x128xi32, #tpu.memory_space<vmem>>
    %dma_wait3A_136 = tpu.memref_squeeze %dma_wait3A_135 : memref<1x128x128xi32, #tpu.memory_space<vmem>> -> memref<128x128xi32, #tpu.memory_space<vmem>>
    %dma_wait3A_137 = arith.constant 0 : i32
    %dma_wait3A_138 = tpu.memref_slice %arg5[%dma_wait3A_131, %dma_wait3A_137] : memref<4x128xi32, #tpu.memory_space<vmem>> -> memref<1x128xi32, #tpu.memory_space<vmem>>
    %dma_wait3A_139 = tpu.memref_squeeze %dma_wait3A_138 : memref<1x128xi32, #tpu.memory_space<vmem>> -> memref<128xi32, #tpu.memory_space<vmem>>
    %dma_wait3A_140 = arith.constant 0 : i32
    %dma_wait3A_141 = arith.constant 0 : i32
    %dma_wait3A_142 = tpu.memref_slice %arg3[%dma_wait3A_140, %dma_wait3A_141] : memref<251904x128xi32, #tpu.memory_space<hbm>> -> memref<251904x128xi32, #tpu.memory_space<hbm>>
    tpu.wait_indirect_dma semaphore(%arg7 : memref<!tpu.dma_semaphore, #tpu.memory_space<semaphore_mem>>) src(%dma_wait3A_142 : memref<251904x128xi32, #tpu.memory_space<hbm>>) dst(%dma_wait3A_136 : memref<128x128xi32, #tpu.memory_space<vmem>>)
    %add3A_143 = arith.constant 256 : i32
    %add3A_144 = arith.addi %mul3A_4, %add3A_143 : i32
    %dma_start3A_145 = arith.constant 0 : i32
    %dma_start3A_146 = arith.constant 0 : i32
    %dma_start3A_147 = arith.constant 0 : i32
    %dma_start3A_148 = tpu.memref_slice %arg6[%dma_start3A_145, %dma_start3A_146, %dma_start3A_147] : memref<2x128x128xi32, #tpu.memory_space<vmem>> -> memref<1x128x128xi32, #tpu.memory_space<vmem>>
    %dma_start3A_149 = tpu.memref_squeeze %dma_start3A_148 : memref<1x128x128xi32, #tpu.memory_space<vmem>> -> memref<128x128xi32, #tpu.memory_space<vmem>>
    %dma_start3A_150 = arith.constant 0 : i32
    %dma_start3A_151 = tpu.memref_slice %arg4[%add3A_144, %dma_start3A_150] : memref<16384x128xi32, #tpu.memory_space<hbm>> -> memref<128x128xi32, #tpu.memory_space<hbm>>
    %dma_start3A_152 = arith.constant 0 : i32
    %dma_start3A_153 = tpu.memref_slice %arg4[%add3A_144, %dma_start3A_152] : memref<16384x128xi32, #tpu.memory_space<hbm>> -> memref<128x128xi32, #tpu.memory_space<hbm>>
    %dma_start3A_154 = arith.constant 0 : i32
    %dma_start3A_155 = arith.constant 0 : i32
    %dma_start3A_156 = tpu.memref_slice %arg6[%dma_start3A_145, %dma_start3A_154, %dma_start3A_155] : memref<2x128x128xi32, #tpu.memory_space<vmem>> -> memref<1x128x128xi32, #tpu.memory_space<vmem>>
    %dma_start3A_157 = tpu.memref_squeeze %dma_start3A_156 : memref<1x128x128xi32, #tpu.memory_space<vmem>> -> memref<128x128xi32, #tpu.memory_space<vmem>>
    tpu.enqueue_dma source(%dma_start3A_157 : memref<128x128xi32, #tpu.memory_space<vmem>>) target(%dma_start3A_153 : memref<128x128xi32, #tpu.memory_space<hbm>>) target_semaphore(%arg9 : memref<!tpu.dma_semaphore, #tpu.memory_space<semaphore_mem>>)
    %dma_wait3A_158 = arith.constant 3 : i32
    %dma_wait3A_159 = arith.constant 1 : i32
    %dma_wait3A_160 = arith.constant 0 : i32
    %dma_wait3A_161 = arith.constant 0 : i32
    %dma_wait3A_162 = tpu.memref_slice %arg6[%dma_wait3A_159, %dma_wait3A_160, %dma_wait3A_161] : memref<2x128x128xi32, #tpu.memory_space<vmem>> -> memref<1x128x128xi32, #tpu.memory_space<vmem>>
    %dma_wait3A_163 = tpu.memref_squeeze %dma_wait3A_162 : memref<1x128x128xi32, #tpu.memory_space<vmem>> -> memref<128x128xi32, #tpu.memory_space<vmem>>
    %dma_wait3A_164 = arith.constant 0 : i32
    %dma_wait3A_165 = tpu.memref_slice %arg5[%dma_wait3A_158, %dma_wait3A_164] : memref<4x128xi32, #tpu.memory_space<vmem>> -> memref<1x128xi32, #tpu.memory_space<vmem>>
    %dma_wait3A_166 = tpu.memref_squeeze %dma_wait3A_165 : memref<1x128xi32, #tpu.memory_space<vmem>> -> memref<128xi32, #tpu.memory_space<vmem>>
    %dma_wait3A_167 = arith.constant 0 : i32
    %dma_wait3A_168 = arith.constant 0 : i32
    %dma_wait3A_169 = tpu.memref_slice %arg3[%dma_wait3A_167, %dma_wait3A_168] : memref<251904x128xi32, #tpu.memory_space<hbm>> -> memref<251904x128xi32, #tpu.memory_space<hbm>>
    tpu.wait_indirect_dma semaphore(%arg8 : memref<!tpu.dma_semaphore, #tpu.memory_space<semaphore_mem>>) src(%dma_wait3A_169 : memref<251904x128xi32, #tpu.memory_space<hbm>>) dst(%dma_wait3A_163 : memref<128x128xi32, #tpu.memory_space<vmem>>)
    %add3A_170 = arith.constant 384 : i32
    %add3A_171 = arith.addi %mul3A_4, %add3A_170 : i32
    %dma_start3A_172 = arith.constant 1 : i32
    %dma_start3A_173 = arith.constant 0 : i32
    %dma_start3A_174 = arith.constant 0 : i32
    %dma_start3A_175 = tpu.memref_slice %arg6[%dma_start3A_172, %dma_start3A_173, %dma_start3A_174] : memref<2x128x128xi32, #tpu.memory_space<vmem>> -> memref<1x128x128xi32, #tpu.memory_space<vmem>>
    %dma_start3A_176 = tpu.memref_squeeze %dma_start3A_175 : memref<1x128x128xi32, #tpu.memory_space<vmem>> -> memref<128x128xi32, #tpu.memory_space<vmem>>
    %dma_start3A_177 = arith.constant 0 : i32
    %dma_start3A_178 = tpu.memref_slice %arg4[%add3A_171, %dma_start3A_177] : memref<16384x128xi32, #tpu.memory_space<hbm>> -> memref<128x128xi32, #tpu.memory_space<hbm>>
    %dma_start3A_179 = arith.constant 0 : i32
    %dma_start3A_180 = tpu.memref_slice %arg4[%add3A_171, %dma_start3A_179] : memref<16384x128xi32, #tpu.memory_space<hbm>> -> memref<128x128xi32, #tpu.memory_space<hbm>>
    %dma_start3A_181 = arith.constant 0 : i32
    %dma_start3A_182 = arith.constant 0 : i32
    %dma_start3A_183 = tpu.memref_slice %arg6[%dma_start3A_172, %dma_start3A_181, %dma_start3A_182] : memref<2x128x128xi32, #tpu.memory_space<vmem>> -> memref<1x128x128xi32, #tpu.memory_space<vmem>>
    %dma_start3A_184 = tpu.memref_squeeze %dma_start3A_183 : memref<1x128x128xi32, #tpu.memory_space<vmem>> -> memref<128x128xi32, #tpu.memory_space<vmem>>
    tpu.enqueue_dma source(%dma_start3A_184 : memref<128x128xi32, #tpu.memory_space<vmem>>) target(%dma_start3A_180 : memref<128x128xi32, #tpu.memory_space<hbm>>) target_semaphore(%arg10 : memref<!tpu.dma_semaphore, #tpu.memory_space<semaphore_mem>>)
    %dma_wait3A_185 = arith.constant 0 : i32
    %dma_wait3A_186 = arith.constant 0 : i32
    %dma_wait3A_187 = arith.constant 0 : i32
    %dma_wait3A_188 = tpu.memref_slice %arg6[%dma_wait3A_185, %dma_wait3A_186, %dma_wait3A_187] : memref<2x128x128xi32, #tpu.memory_space<vmem>> -> memref<1x128x128xi32, #tpu.memory_space<vmem>>
    %dma_wait3A_189 = tpu.memref_squeeze %dma_wait3A_188 : memref<1x128x128xi32, #tpu.memory_space<vmem>> -> memref<128x128xi32, #tpu.memory_space<vmem>>
    %dma_wait3A_190 = arith.constant 0 : i32
    %dma_wait3A_191 = tpu.memref_slice %arg4[%add3A_144, %dma_wait3A_190] : memref<16384x128xi32, #tpu.memory_space<hbm>> -> memref<128x128xi32, #tpu.memory_space<hbm>>
    %dma_wait3A_192 = arith.constant 0 : i32
    %dma_wait3A_193 = tpu.memref_slice %arg4[%add3A_144, %dma_wait3A_192] : memref<16384x128xi32, #tpu.memory_space<hbm>> -> memref<128x128xi32, #tpu.memory_space<hbm>>
    %dma_wait3A_194 = arith.constant 0 : i32
    %dma_wait3A_195 = arith.constant 0 : i32
    %dma_wait3A_196 = tpu.memref_slice %arg6[%dma_wait3A_185, %dma_wait3A_194, %dma_wait3A_195] : memref<2x128x128xi32, #tpu.memory_space<vmem>> -> memref<1x128x128xi32, #tpu.memory_space<vmem>>
    %dma_wait3A_197 = tpu.memref_squeeze %dma_wait3A_196 : memref<1x128x128xi32, #tpu.memory_space<vmem>> -> memref<128x128xi32, #tpu.memory_space<vmem>>
    tpu.wait_dma2 semaphore(%arg9 : memref<!tpu.dma_semaphore, #tpu.memory_space<semaphore_mem>>) src(%dma_wait3A_197 : memref<128x128xi32, #tpu.memory_space<vmem>>) dst(%dma_wait3A_193 : memref<128x128xi32, #tpu.memory_space<hbm>>)
    %dma_wait3A_198 = arith.constant 1 : i32
    %dma_wait3A_199 = arith.constant 0 : i32
    %dma_wait3A_200 = arith.constant 0 : i32
    %dma_wait3A_201 = tpu.memref_slice %arg6[%dma_wait3A_198, %dma_wait3A_199, %dma_wait3A_200] : memref<2x128x128xi32, #tpu.memory_space<vmem>> -> memref<1x128x128xi32, #tpu.memory_space<vmem>>
    %dma_wait3A_202 = tpu.memref_squeeze %dma_wait3A_201 : memref<1x128x128xi32, #tpu.memory_space<vmem>> -> memref<128x128xi32, #tpu.memory_space<vmem>>
    %dma_wait3A_203 = arith.constant 0 : i32
    %dma_wait3A_204 = tpu.memref_slice %arg4[%add3A_171, %dma_wait3A_203] : memref<16384x128xi32, #tpu.memory_space<hbm>> -> memref<128x128xi32, #tpu.memory_space<hbm>>
    %dma_wait3A_205 = arith.constant 0 : i32
    %dma_wait3A_206 = tpu.memref_slice %arg4[%add3A_171, %dma_wait3A_205] : memref<16384x128xi32, #tpu.memory_space<hbm>> -> memref<128x128xi32, #tpu.memory_space<hbm>>
    %dma_wait3A_207 = arith.constant 0 : i32
    %dma_wait3A_208 = arith.constant 0 : i32
    %dma_wait3A_209 = tpu.memref_slice %arg6[%dma_wait3A_198, %dma_wait3A_207, %dma_wait3A_208] : memref<2x128x128xi32, #tpu.memory_space<vmem>> -> memref<1x128x128xi32, #tpu.memory_space<vmem>>
    %dma_wait3A_210 = tpu.memref_squeeze %dma_wait3A_209 : memref<1x128x128xi32, #tpu.memory_space<vmem>> -> memref<128x128xi32, #tpu.memory_space<vmem>>
    tpu.wait_dma2 semaphore(%arg10 : memref<!tpu.dma_semaphore, #tpu.memory_space<semaphore_mem>>) src(%dma_wait3A_210 : memref<128x128xi32, #tpu.memory_space<vmem>>) dst(%dma_wait3A_206 : memref<128x128xi32, #tpu.memory_space<hbm>>)
    return
  }
}

#map = affine_map<(d0, d1) -> (0, 0)>
module attributes {stable_mosaic.version = 14 : i64} {
  func.func @gather_kernel(%arg0: i32, %arg1: i32, %arg2: memref<128x128xi32, #tpu.memory_space<hbm>>, %arg3: memref<251904x128xi32, #tpu.memory_space<hbm>>, %arg4: memref<16384x128xi32, #tpu.memory_space<hbm>>, %arg5: memref<4x128xi32, #tpu.memory_space<vmem>>, %arg6: memref<2x128x128xi32, #tpu.memory_space<vmem>>, %arg7: memref<!tpu.dma_semaphore, #tpu.memory_space<semaphore_mem>>, %arg8: memref<!tpu.dma_semaphore, #tpu.memory_space<semaphore_mem>>, %arg9: memref<!tpu.dma_semaphore, #tpu.memory_space<semaphore_mem>>, %arg10: memref<!tpu.dma_semaphore, #tpu.memory_space<semaphore_mem>>) attributes {dimension_semantics = [#tpu.dimension_semantics<core_parallel>, #tpu.dimension_semantics<subcore_parallel>], iteration_bounds = array<i64: 2, 16>, scalar_prefetch = 0 : i64, scratch_operands = 6 : i64, tpu.core_type = #tpu.core_type<sc_vector_subcore>, window_params = [{transform_indices = #map}, {transform_indices = #map}, {transform_indices = #map}]} {
    %mul3A = arith.constant 2 : i32
    %mul3A_0 = arith.muli %arg1, %mul3A : i32
    %add3A = arith.addi %mul3A_0, %arg0 : i32
    %mul3A_1 = arith.constant 4 : i32
    %mul3A_2 = arith.muli %add3A, %mul3A_1 : i32
    "tpu.region"() ({
      %run_scoped3A = tpu.sem_alloc : memref<!tpu.dma_semaphore, #tpu.memory_space<semaphore_mem>>
      %dma_start3A_211 = arith.constant 0 : i32
      %dma_start3A_212 = tpu.memref_slice %arg2[%mul3A_2, %dma_start3A_211] : memref<128x128xi32, #tpu.memory_space<hbm>> -> memref<4x128xi32, #tpu.memory_space<hbm>>
      %dma_start3A_213 = arith.constant 0 : i32
      %dma_start3A_214 = tpu.memref_slice %arg2[%mul3A_2, %dma_start3A_213] : memref<128x128xi32, #tpu.memory_space<hbm>> -> memref<4x128xi32, #tpu.memory_space<hbm>>
      tpu.enqueue_dma source(%dma_start3A_214 : memref<4x128xi32, #tpu.memory_space<hbm>>) target(%arg5 : memref<4x128xi32, #tpu.memory_space<vmem>>) target_semaphore(%run_scoped3A : memref<!tpu.dma_semaphore, #tpu.memory_space<semaphore_mem>>)
      %dma_wait3A_215 = arith.constant 0 : i32
      %dma_wait3A_216 = tpu.memref_slice %arg2[%mul3A_2, %dma_wait3A_215] : memref<128x128xi32, #tpu.memory_space<hbm>> -> memref<4x128xi32, #tpu.memory_space<hbm>>
      %dma_wait3A_217 = arith.constant 0 : i32
      %dma_wait3A_218 = tpu.memref_slice %arg2[%mul3A_2, %dma_wait3A_217] : memref<128x128xi32, #tpu.memory_space<hbm>> -> memref<4x128xi32, #tpu.memory_space<hbm>>
      tpu.wait_dma2 semaphore(%run_scoped3A : memref<!tpu.dma_semaphore, #tpu.memory_space<semaphore_mem>>) src(%dma_wait3A_218 : memref<4x128xi32, #tpu.memory_space<hbm>>) dst(%arg5 : memref<4x128xi32, #tpu.memory_space<vmem>>)
      tpu.yield
    }) : () -> ()
    %mul3A_3 = arith.constant 512 : i32
    %mul3A_4 = arith.muli %add3A, %mul3A_3 : i32
    %dma_start3A = arith.constant 0 : i32
    %dma_start3A_5 = arith.constant 0 : i32
    %dma_start3A_6 = arith.constant 0 : i32
    %dma_start3A_7 = arith.constant 0 : i32
    %dma_start3A_8 = tpu.memref_slice %arg6[%dma_start3A_5, %dma_start3A_6, %dma_start3A_7] : memref<2x128x128xi32, #tpu.memory_space<vmem>> -> memref<1x128x128xi32, #tpu.memory_space<vmem>>
    %dma_start3A_9 = tpu.memref_squeeze %dma_start3A_8 : memref<1x128x128xi32, #tpu.memory_space<vmem>> -> memref<128x128xi32, #tpu.memory_space<vmem>>
    %dma_start3A_10 = arith.constant 0 : i32
    %dma_start3A_11 = tpu.memref_slice %arg5[%dma_start3A, %dma_start3A_10] : memref<4x128xi32, #tpu.memory_space<vmem>> -> memref<1x128xi32, #tpu.memory_space<vmem>>
    %dma_start3A_12 = tpu.memref_squeeze %dma_start3A_11 : memref<1x128xi32, #tpu.memory_space<vmem>> -> memref<128xi32, #tpu.memory_space<vmem>>
    %dma_start3A_13 = arith.constant 0 : i32
    %dma_start3A_14 = arith.constant 0 : i32
    %dma_start3A_15 = tpu.memref_slice %arg3[%dma_start3A_13, %dma_start3A_14] : memref<251904x128xi32, #tpu.memory_space<hbm>> -> memref<251904x128xi32, #tpu.memory_space<hbm>>
    tpu.enqueue_indirect_dma source(%dma_start3A_15 : memref<251904x128xi32, #tpu.memory_space<hbm>>) target(%dma_start3A_9 : memref<128x128xi32, #tpu.memory_space<vmem>>) offsets(%dma_start3A_12 : memref<128xi32, #tpu.memory_space<vmem>>) semaphore(%arg7 : memref<!tpu.dma_semaphore, #tpu.memory_space<semaphore_mem>>)
    %dma_start3A_16 = arith.constant 1 : i32
    %dma_start3A_17 = arith.constant 1 : i32
    %dma_start3A_18 = arith.constant 0 : i32
    %dma_start3A_19 = arith.constant 0 : i32
    %dma_start3A_20 = tpu.memref_slice %arg6[%dma_start3A_17, %dma_start3A_18, %dma_start3A_19] : memref<2x128x128xi32, #tpu.memory_space<vmem>> -> memref<1x128x128xi32, #tpu.memory_space<vmem>>
    %dma_start3A_21 = tpu.memref_squeeze %dma_start3A_20 : memref<1x128x128xi32, #tpu.memory_space<vmem>> -> memref<128x128xi32, #tpu.memory_space<vmem>>
    %dma_start3A_22 = arith.constant 0 : i32
    %dma_start3A_23 = tpu.memref_slice %arg5[%dma_start3A_16, %dma_start3A_22] : memref<4x128xi32, #tpu.memory_space<vmem>> -> memref<1x128xi32, #tpu.memory_space<vmem>>
    %dma_start3A_24 = tpu.memref_squeeze %dma_start3A_23 : memref<1x128xi32, #tpu.memory_space<vmem>> -> memref<128xi32, #tpu.memory_space<vmem>>
    %dma_start3A_25 = arith.constant 0 : i32
    %dma_start3A_26 = arith.constant 0 : i32
    %dma_start3A_27 = tpu.memref_slice %arg3[%dma_start3A_25, %dma_start3A_26] : memref<251904x128xi32, #tpu.memory_space<hbm>> -> memref<251904x128xi32, #tpu.memory_space<hbm>>
    tpu.enqueue_indirect_dma source(%dma_start3A_27 : memref<251904x128xi32, #tpu.memory_space<hbm>>) target(%dma_start3A_21 : memref<128x128xi32, #tpu.memory_space<vmem>>) offsets(%dma_start3A_24 : memref<128xi32, #tpu.memory_space<vmem>>) semaphore(%arg8 : memref<!tpu.dma_semaphore, #tpu.memory_space<semaphore_mem>>)
    %dma_wait3A = arith.constant 0 : i32
    %dma_wait3A_28 = arith.constant 0 : i32
    %dma_wait3A_29 = arith.constant 0 : i32
    %dma_wait3A_30 = arith.constant 0 : i32
    %dma_wait3A_31 = tpu.memref_slice %arg6[%dma_wait3A_28, %dma_wait3A_29, %dma_wait3A_30] : memref<2x128x128xi32, #tpu.memory_space<vmem>> -> memref<1x128x128xi32, #tpu.memory_space<vmem>>
    %dma_wait3A_32 = tpu.memref_squeeze %dma_wait3A_31 : memref<1x128x128xi32, #tpu.memory_space<vmem>> -> memref<128x128xi32, #tpu.memory_space<vmem>>
    %dma_wait3A_33 = arith.constant 0 : i32
    %dma_wait3A_34 = tpu.memref_slice %arg5[%dma_wait3A, %dma_wait3A_33] : memref<4x128xi32, #tpu.memory_space<vmem>> -> memref<1x128xi32, #tpu.memory_space<vmem>>
    %dma_wait3A_35 = tpu.memref_squeeze %dma_wait3A_34 : memref<1x128xi32, #tpu.memory_space<vmem>> -> memref<128xi32, #tpu.memory_space<vmem>>
    %dma_wait3A_36 = arith.constant 0 : i32
    %dma_wait3A_37 = arith.constant 0 : i32
    %dma_wait3A_38 = tpu.memref_slice %arg3[%dma_wait3A_36, %dma_wait3A_37] : memref<251904x128xi32, #tpu.memory_space<hbm>> -> memref<251904x128xi32, #tpu.memory_space<hbm>>
    tpu.wait_indirect_dma semaphore(%arg7 : memref<!tpu.dma_semaphore, #tpu.memory_space<semaphore_mem>>) src(%dma_wait3A_38 : memref<251904x128xi32, #tpu.memory_space<hbm>>) dst(%dma_wait3A_32 : memref<128x128xi32, #tpu.memory_space<vmem>>)
    %add3A_39 = arith.constant 0 : i32
    %add3A_40 = arith.addi %mul3A_4, %add3A_39 : i32
    %dma_start3A_41 = arith.constant 0 : i32
    %dma_start3A_42 = arith.constant 0 : i32
    %dma_start3A_43 = arith.constant 0 : i32
    %dma_start3A_44 = tpu.memref_slice %arg6[%dma_start3A_41, %dma_start3A_42, %dma_start3A_43] : memref<2x128x128xi32, #tpu.memory_space<vmem>> -> memref<1x128x128xi32, #tpu.memory_space<vmem>>
    %dma_start3A_45 = tpu.memref_squeeze %dma_start3A_44 : memref<1x128x128xi32, #tpu.memory_space<vmem>> -> memref<128x128xi32, #tpu.memory_space<vmem>>
    %dma_start3A_46 = arith.constant 0 : i32
    %dma_start3A_47 = tpu.memref_slice %arg4[%add3A_40, %dma_start3A_46] : memref<16384x128xi32, #tpu.memory_space<hbm>> -> memref<128x128xi32, #tpu.memory_space<hbm>>
    %dma_start3A_48 = arith.constant 0 : i32
    %dma_start3A_49 = tpu.memref_slice %arg4[%add3A_40, %dma_start3A_48] : memref<16384x128xi32, #tpu.memory_space<hbm>> -> memref<128x128xi32, #tpu.memory_space<hbm>>
    %dma_start3A_50 = arith.constant 0 : i32
    %dma_start3A_51 = arith.constant 0 : i32
    %dma_start3A_52 = tpu.memref_slice %arg6[%dma_start3A_41, %dma_start3A_50, %dma_start3A_51] : memref<2x128x128xi32, #tpu.memory_space<vmem>> -> memref<1x128x128xi32, #tpu.memory_space<vmem>>
    %dma_start3A_53 = tpu.memref_squeeze %dma_start3A_52 : memref<1x128x128xi32, #tpu.memory_space<vmem>> -> memref<128x128xi32, #tpu.memory_space<vmem>>
    tpu.enqueue_dma source(%dma_start3A_53 : memref<128x128xi32, #tpu.memory_space<vmem>>) target(%dma_start3A_49 : memref<128x128xi32, #tpu.memory_space<hbm>>) target_semaphore(%arg9 : memref<!tpu.dma_semaphore, #tpu.memory_space<semaphore_mem>>)
    %dma_wait3A_54 = arith.constant 0 : i32
    %dma_wait3A_55 = arith.constant 0 : i32
    %dma_wait3A_56 = arith.constant 0 : i32
    %dma_wait3A_57 = tpu.memref_slice %arg6[%dma_wait3A_54, %dma_wait3A_55, %dma_wait3A_56] : memref<2x128x128xi32, #tpu.memory_space<vmem>> -> memref<1x128x128xi32, #tpu.memory_space<vmem>>
    %dma_wait3A_58 = tpu.memref_squeeze %dma_wait3A_57 : memref<1x128x128xi32, #tpu.memory_space<vmem>> -> memref<128x128xi32, #tpu.memory_space<vmem>>
    %dma_wait3A_59 = arith.constant 0 : i32
    %dma_wait3A_60 = tpu.memref_slice %arg4[%add3A_40, %dma_wait3A_59] : memref<16384x128xi32, #tpu.memory_space<hbm>> -> memref<128x128xi32, #tpu.memory_space<hbm>>
    %dma_wait3A_61 = arith.constant 0 : i32
    %dma_wait3A_62 = tpu.memref_slice %arg4[%add3A_40, %dma_wait3A_61] : memref<16384x128xi32, #tpu.memory_space<hbm>> -> memref<128x128xi32, #tpu.memory_space<hbm>>
    %dma_wait3A_63 = arith.constant 0 : i32
    %dma_wait3A_64 = arith.constant 0 : i32
    %dma_wait3A_65 = tpu.memref_slice %arg6[%dma_wait3A_54, %dma_wait3A_63, %dma_wait3A_64] : memref<2x128x128xi32, #tpu.memory_space<vmem>> -> memref<1x128x128xi32, #tpu.memory_space<vmem>>
    %dma_wait3A_66 = tpu.memref_squeeze %dma_wait3A_65 : memref<1x128x128xi32, #tpu.memory_space<vmem>> -> memref<128x128xi32, #tpu.memory_space<vmem>>
    tpu.wait_dma2 semaphore(%arg9 : memref<!tpu.dma_semaphore, #tpu.memory_space<semaphore_mem>>) src(%dma_wait3A_66 : memref<128x128xi32, #tpu.memory_space<vmem>>) dst(%dma_wait3A_62 : memref<128x128xi32, #tpu.memory_space<hbm>>)
    %dma_start3A_67 = arith.constant 2 : i32
    %dma_start3A_68 = arith.constant 0 : i32
    %dma_start3A_69 = arith.constant 0 : i32
    %dma_start3A_70 = arith.constant 0 : i32
    %dma_start3A_71 = tpu.memref_slice %arg6[%dma_start3A_68, %dma_start3A_69, %dma_start3A_70] : memref<2x128x128xi32, #tpu.memory_space<vmem>> -> memref<1x128x128xi32, #tpu.memory_space<vmem>>
    %dma_start3A_72 = tpu.memref_squeeze %dma_start3A_71 : memref<1x128x128xi32, #tpu.memory_space<vmem>> -> memref<128x128xi32, #tpu.memory_space<vmem>>
    %dma_start3A_73 = arith.constant 0 : i32
    %dma_start3A_74 = tpu.memref_slice %arg5[%dma_start3A_67, %dma_start3A_73] : memref<4x128xi32, #tpu.memory_space<vmem>> -> memref<1x128xi32, #tpu.memory_space<vmem>>
    %dma_start3A_75 = tpu.memref_squeeze %dma_start3A_74 : memref<1x128xi32, #tpu.memory_space<vmem>> -> memref<128xi32, #tpu.memory_space<vmem>>
    %dma_start3A_76 = arith.constant 0 : i32
    %dma_start3A_77 = arith.constant 0 : i32
    %dma_start3A_78 = tpu.memref_slice %arg3[%dma_start3A_76, %dma_start3A_77] : memref<251904x128xi32, #tpu.memory_space<hbm>> -> memref<251904x128xi32, #tpu.memory_space<hbm>>
    tpu.enqueue_indirect_dma source(%dma_start3A_78 : memref<251904x128xi32, #tpu.memory_space<hbm>>) target(%dma_start3A_72 : memref<128x128xi32, #tpu.memory_space<vmem>>) offsets(%dma_start3A_75 : memref<128xi32, #tpu.memory_space<vmem>>) semaphore(%arg7 : memref<!tpu.dma_semaphore, #tpu.memory_space<semaphore_mem>>)
    %dma_wait3A_79 = arith.constant 1 : i32
    %dma_wait3A_80 = arith.constant 1 : i32
    %dma_wait3A_81 = arith.constant 0 : i32
    %dma_wait3A_82 = arith.constant 0 : i32
    %dma_wait3A_83 = tpu.memref_slice %arg6[%dma_wait3A_80, %dma_wait3A_81, %dma_wait3A_82] : memref<2x128x128xi32, #tpu.memory_space<vmem>> -> memref<1x128x128xi32, #tpu.memory_space<vmem>>
    %dma_wait3A_84 = tpu.memref_squeeze %dma_wait3A_83 : memref<1x128x128xi32, #tpu.memory_space<vmem>> -> memref<128x128xi32, #tpu.memory_space<vmem>>
    %dma_wait3A_85 = arith.constant 0 : i32
    %dma_wait3A_86 = tpu.memref_slice %arg5[%dma_wait3A_79, %dma_wait3A_85] : memref<4x128xi32, #tpu.memory_space<vmem>> -> memref<1x128xi32, #tpu.memory_space<vmem>>
    %dma_wait3A_87 = tpu.memref_squeeze %dma_wait3A_86 : memref<1x128xi32, #tpu.memory_space<vmem>> -> memref<128xi32, #tpu.memory_space<vmem>>
    %dma_wait3A_88 = arith.constant 0 : i32
    %dma_wait3A_89 = arith.constant 0 : i32
    %dma_wait3A_90 = tpu.memref_slice %arg3[%dma_wait3A_88, %dma_wait3A_89] : memref<251904x128xi32, #tpu.memory_space<hbm>> -> memref<251904x128xi32, #tpu.memory_space<hbm>>
    tpu.wait_indirect_dma semaphore(%arg8 : memref<!tpu.dma_semaphore, #tpu.memory_space<semaphore_mem>>) src(%dma_wait3A_90 : memref<251904x128xi32, #tpu.memory_space<hbm>>) dst(%dma_wait3A_84 : memref<128x128xi32, #tpu.memory_space<vmem>>)
    %add3A_91 = arith.constant 128 : i32
    %add3A_92 = arith.addi %mul3A_4, %add3A_91 : i32
    %dma_start3A_93 = arith.constant 1 : i32
    %dma_start3A_94 = arith.constant 0 : i32
    %dma_start3A_95 = arith.constant 0 : i32
    %dma_start3A_96 = tpu.memref_slice %arg6[%dma_start3A_93, %dma_start3A_94, %dma_start3A_95] : memref<2x128x128xi32, #tpu.memory_space<vmem>> -> memref<1x128x128xi32, #tpu.memory_space<vmem>>
    %dma_start3A_97 = tpu.memref_squeeze %dma_start3A_96 : memref<1x128x128xi32, #tpu.memory_space<vmem>> -> memref<128x128xi32, #tpu.memory_space<vmem>>
    %dma_start3A_98 = arith.constant 0 : i32
    %dma_start3A_99 = tpu.memref_slice %arg4[%add3A_92, %dma_start3A_98] : memref<16384x128xi32, #tpu.memory_space<hbm>> -> memref<128x128xi32, #tpu.memory_space<hbm>>
    %dma_start3A_100 = arith.constant 0 : i32
    %dma_start3A_101 = tpu.memref_slice %arg4[%add3A_92, %dma_start3A_100] : memref<16384x128xi32, #tpu.memory_space<hbm>> -> memref<128x128xi32, #tpu.memory_space<hbm>>
    %dma_start3A_102 = arith.constant 0 : i32
    %dma_start3A_103 = arith.constant 0 : i32
    %dma_start3A_104 = tpu.memref_slice %arg6[%dma_start3A_93, %dma_start3A_102, %dma_start3A_103] : memref<2x128x128xi32, #tpu.memory_space<vmem>> -> memref<1x128x128xi32, #tpu.memory_space<vmem>>
    %dma_start3A_105 = tpu.memref_squeeze %dma_start3A_104 : memref<1x128x128xi32, #tpu.memory_space<vmem>> -> memref<128x128xi32, #tpu.memory_space<vmem>>
    tpu.enqueue_dma source(%dma_start3A_105 : memref<128x128xi32, #tpu.memory_space<vmem>>) target(%dma_start3A_101 : memref<128x128xi32, #tpu.memory_space<hbm>>) target_semaphore(%arg10 : memref<!tpu.dma_semaphore, #tpu.memory_space<semaphore_mem>>)
    %dma_wait3A_106 = arith.constant 1 : i32
    %dma_wait3A_107 = arith.constant 0 : i32
    %dma_wait3A_108 = arith.constant 0 : i32
    %dma_wait3A_109 = tpu.memref_slice %arg6[%dma_wait3A_106, %dma_wait3A_107, %dma_wait3A_108] : memref<2x128x128xi32, #tpu.memory_space<vmem>> -> memref<1x128x128xi32, #tpu.memory_space<vmem>>
    %dma_wait3A_110 = tpu.memref_squeeze %dma_wait3A_109 : memref<1x128x128xi32, #tpu.memory_space<vmem>> -> memref<128x128xi32, #tpu.memory_space<vmem>>
    %dma_wait3A_111 = arith.constant 0 : i32
    %dma_wait3A_112 = tpu.memref_slice %arg4[%add3A_92, %dma_wait3A_111] : memref<16384x128xi32, #tpu.memory_space<hbm>> -> memref<128x128xi32, #tpu.memory_space<hbm>>
    %dma_wait3A_113 = arith.constant 0 : i32
    %dma_wait3A_114 = tpu.memref_slice %arg4[%add3A_92, %dma_wait3A_113] : memref<16384x128xi32, #tpu.memory_space<hbm>> -> memref<128x128xi32, #tpu.memory_space<hbm>>
    %dma_wait3A_115 = arith.constant 0 : i32
    %dma_wait3A_116 = arith.constant 0 : i32
    %dma_wait3A_117 = tpu.memref_slice %arg6[%dma_wait3A_106, %dma_wait3A_115, %dma_wait3A_116] : memref<2x128x128xi32, #tpu.memory_space<vmem>> -> memref<1x128x128xi32, #tpu.memory_space<vmem>>
    %dma_wait3A_118 = tpu.memref_squeeze %dma_wait3A_117 : memref<1x128x128xi32, #tpu.memory_space<vmem>> -> memref<128x128xi32, #tpu.memory_space<vmem>>
    tpu.wait_dma2 semaphore(%arg10 : memref<!tpu.dma_semaphore, #tpu.memory_space<semaphore_mem>>) src(%dma_wait3A_118 : memref<128x128xi32, #tpu.memory_space<vmem>>) dst(%dma_wait3A_114 : memref<128x128xi32, #tpu.memory_space<hbm>>)
    %dma_start3A_119 = arith.constant 3 : i32
    %dma_start3A_120 = arith.constant 1 : i32
    %dma_start3A_121 = arith.constant 0 : i32
    %dma_start3A_122 = arith.constant 0 : i32
    %dma_start3A_123 = tpu.memref_slice %arg6[%dma_start3A_120, %dma_start3A_121, %dma_start3A_122] : memref<2x128x128xi32, #tpu.memory_space<vmem>> -> memref<1x128x128xi32, #tpu.memory_space<vmem>>
    %dma_start3A_124 = tpu.memref_squeeze %dma_start3A_123 : memref<1x128x128xi32, #tpu.memory_space<vmem>> -> memref<128x128xi32, #tpu.memory_space<vmem>>
    %dma_start3A_125 = arith.constant 0 : i32
    %dma_start3A_126 = tpu.memref_slice %arg5[%dma_start3A_119, %dma_start3A_125] : memref<4x128xi32, #tpu.memory_space<vmem>> -> memref<1x128xi32, #tpu.memory_space<vmem>>
    %dma_start3A_127 = tpu.memref_squeeze %dma_start3A_126 : memref<1x128xi32, #tpu.memory_space<vmem>> -> memref<128xi32, #tpu.memory_space<vmem>>
    %dma_start3A_128 = arith.constant 0 : i32
    %dma_start3A_129 = arith.constant 0 : i32
    %dma_start3A_130 = tpu.memref_slice %arg3[%dma_start3A_128, %dma_start3A_129] : memref<251904x128xi32, #tpu.memory_space<hbm>> -> memref<251904x128xi32, #tpu.memory_space<hbm>>
    tpu.enqueue_indirect_dma source(%dma_start3A_130 : memref<251904x128xi32, #tpu.memory_space<hbm>>) target(%dma_start3A_124 : memref<128x128xi32, #tpu.memory_space<vmem>>) offsets(%dma_start3A_127 : memref<128xi32, #tpu.memory_space<vmem>>) semaphore(%arg8 : memref<!tpu.dma_semaphore, #tpu.memory_space<semaphore_mem>>)
    %dma_wait3A_131 = arith.constant 2 : i32
    %dma_wait3A_132 = arith.constant 0 : i32
    %dma_wait3A_133 = arith.constant 0 : i32
    %dma_wait3A_134 = arith.constant 0 : i32
    %dma_wait3A_135 = tpu.memref_slice %arg6[%dma_wait3A_132, %dma_wait3A_133, %dma_wait3A_134] : memref<2x128x128xi32, #tpu.memory_space<vmem>> -> memref<1x128x128xi32, #tpu.memory_space<vmem>>
    %dma_wait3A_136 = tpu.memref_squeeze %dma_wait3A_135 : memref<1x128x128xi32, #tpu.memory_space<vmem>> -> memref<128x128xi32, #tpu.memory_space<vmem>>
    %dma_wait3A_137 = arith.constant 0 : i32
    %dma_wait3A_138 = tpu.memref_slice %arg5[%dma_wait3A_131, %dma_wait3A_137] : memref<4x128xi32, #tpu.memory_space<vmem>> -> memref<1x128xi32, #tpu.memory_space<vmem>>
    %dma_wait3A_139 = tpu.memref_squeeze %dma_wait3A_138 : memref<1x128xi32, #tpu.memory_space<vmem>> -> memref<128xi32, #tpu.memory_space<vmem>>
    %dma_wait3A_140 = arith.constant 0 : i32
    %dma_wait3A_141 = arith.constant 0 : i32
    %dma_wait3A_142 = tpu.memref_slice %arg3[%dma_wait3A_140, %dma_wait3A_141] : memref<251904x128xi32, #tpu.memory_space<hbm>> -> memref<251904x128xi32, #tpu.memory_space<hbm>>
    tpu.wait_indirect_dma semaphore(%arg7 : memref<!tpu.dma_semaphore, #tpu.memory_space<semaphore_mem>>) src(%dma_wait3A_142 : memref<251904x128xi32, #tpu.memory_space<hbm>>) dst(%dma_wait3A_136 : memref<128x128xi32, #tpu.memory_space<vmem>>)
    %add3A_143 = arith.constant 256 : i32
    %add3A_144 = arith.addi %mul3A_4, %add3A_143 : i32
    %dma_start3A_145 = arith.constant 0 : i32
    %dma_start3A_146 = arith.constant 0 : i32
    %dma_start3A_147 = arith.constant 0 : i32
    %dma_start3A_148 = tpu.memref_slice %arg6[%dma_start3A_145, %dma_start3A_146, %dma_start3A_147] : memref<2x128x128xi32, #tpu.memory_space<vmem>> -> memref<1x128x128xi32, #tpu.memory_space<vmem>>
    %dma_start3A_149 = tpu.memref_squeeze %dma_start3A_148 : memref<1x128x128xi32, #tpu.memory_space<vmem>> -> memref<128x128xi32, #tpu.memory_space<vmem>>
    %dma_start3A_150 = arith.constant 0 : i32
    %dma_start3A_151 = tpu.memref_slice %arg4[%add3A_144, %dma_start3A_150] : memref<16384x128xi32, #tpu.memory_space<hbm>> -> memref<128x128xi32, #tpu.memory_space<hbm>>
    %dma_start3A_152 = arith.constant 0 : i32
    %dma_start3A_153 = tpu.memref_slice %arg4[%add3A_144, %dma_start3A_152] : memref<16384x128xi32, #tpu.memory_space<hbm>> -> memref<128x128xi32, #tpu.memory_space<hbm>>
    %dma_start3A_154 = arith.constant 0 : i32
    %dma_start3A_155 = arith.constant 0 : i32
    %dma_start3A_156 = tpu.memref_slice %arg6[%dma_start3A_145, %dma_start3A_154, %dma_start3A_155] : memref<2x128x128xi32, #tpu.memory_space<vmem>> -> memref<1x128x128xi32, #tpu.memory_space<vmem>>
    %dma_start3A_157 = tpu.memref_squeeze %dma_start3A_156 : memref<1x128x128xi32, #tpu.memory_space<vmem>> -> memref<128x128xi32, #tpu.memory_space<vmem>>
    tpu.enqueue_dma source(%dma_start3A_157 : memref<128x128xi32, #tpu.memory_space<vmem>>) target(%dma_start3A_153 : memref<128x128xi32, #tpu.memory_space<hbm>>) target_semaphore(%arg9 : memref<!tpu.dma_semaphore, #tpu.memory_space<semaphore_mem>>)
    %dma_wait3A_158 = arith.constant 3 : i32
    %dma_wait3A_159 = arith.constant 1 : i32
    %dma_wait3A_160 = arith.constant 0 : i32
    %dma_wait3A_161 = arith.constant 0 : i32
    %dma_wait3A_162 = tpu.memref_slice %arg6[%dma_wait3A_159, %dma_wait3A_160, %dma_wait3A_161] : memref<2x128x128xi32, #tpu.memory_space<vmem>> -> memref<1x128x128xi32, #tpu.memory_space<vmem>>
    %dma_wait3A_163 = tpu.memref_squeeze %dma_wait3A_162 : memref<1x128x128xi32, #tpu.memory_space<vmem>> -> memref<128x128xi32, #tpu.memory_space<vmem>>
    %dma_wait3A_164 = arith.constant 0 : i32
    %dma_wait3A_165 = tpu.memref_slice %arg5[%dma_wait3A_158, %dma_wait3A_164] : memref<4x128xi32, #tpu.memory_space<vmem>> -> memref<1x128xi32, #tpu.memory_space<vmem>>
    %dma_wait3A_166 = tpu.memref_squeeze %dma_wait3A_165 : memref<1x128xi32, #tpu.memory_space<vmem>> -> memref<128xi32, #tpu.memory_space<vmem>>
    %dma_wait3A_167 = arith.constant 0 : i32
    %dma_wait3A_168 = arith.constant 0 : i32
    %dma_wait3A_169 = tpu.memref_slice %arg3[%dma_wait3A_167, %dma_wait3A_168] : memref<251904x128xi32, #tpu.memory_space<hbm>> -> memref<251904x128xi32, #tpu.memory_space<hbm>>
    tpu.wait_indirect_dma semaphore(%arg8 : memref<!tpu.dma_semaphore, #tpu.memory_space<semaphore_mem>>) src(%dma_wait3A_169 : memref<251904x128xi32, #tpu.memory_space<hbm>>) dst(%dma_wait3A_163 : memref<128x128xi32, #tpu.memory_space<vmem>>)
    %add3A_170 = arith.constant 384 : i32
    %add3A_171 = arith.addi %mul3A_4, %add3A_170 : i32
    %dma_start3A_172 = arith.constant 1 : i32
    %dma_start3A_173 = arith.constant 0 : i32
    %dma_start3A_174 = arith.constant 0 : i32
    %dma_start3A_175 = tpu.memref_slice %arg6[%dma_start3A_172, %dma_start3A_173, %dma_start3A_174] : memref<2x128x128xi32, #tpu.memory_space<vmem>> -> memref<1x128x128xi32, #tpu.memory_space<vmem>>
    %dma_start3A_176 = tpu.memref_squeeze %dma_start3A_175 : memref<1x128x128xi32, #tpu.memory_space<vmem>> -> memref<128x128xi32, #tpu.memory_space<vmem>>
    %dma_start3A_177 = arith.constant 0 : i32
    %dma_start3A_178 = tpu.memref_slice %arg4[%add3A_171, %dma_start3A_177] : memref<16384x128xi32, #tpu.memory_space<hbm>> -> memref<128x128xi32, #tpu.memory_space<hbm>>
    %dma_start3A_179 = arith.constant 0 : i32
    %dma_start3A_180 = tpu.memref_slice %arg4[%add3A_171, %dma_start3A_179] : memref<16384x128xi32, #tpu.memory_space<hbm>> -> memref<128x128xi32, #tpu.memory_space<hbm>>
    %dma_start3A_181 = arith.constant 0 : i32
    %dma_start3A_182 = arith.constant 0 : i32
    %dma_start3A_183 = tpu.memref_slice %arg6[%dma_start3A_172, %dma_start3A_181, %dma_start3A_182] : memref<2x128x128xi32, #tpu.memory_space<vmem>> -> memref<1x128x128xi32, #tpu.memory_space<vmem>>
    %dma_start3A_184 = tpu.memref_squeeze %dma_start3A_183 : memref<1x128x128xi32, #tpu.memory_space<vmem>> -> memref<128x128xi32, #tpu.memory_space<vmem>>
    tpu.enqueue_dma source(%dma_start3A_184 : memref<128x128xi32, #tpu.memory_space<vmem>>) target(%dma_start3A_180 : memref<128x128xi32, #tpu.memory_space<hbm>>) target_semaphore(%arg10 : memref<!tpu.dma_semaphore, #tpu.memory_space<semaphore_mem>>)
    %dma_wait3A_185 = arith.constant 0 : i32
    %dma_wait3A_186 = arith.constant 0 : i32
    %dma_wait3A_187 = arith.constant 0 : i32
    %dma_wait3A_188 = tpu.memref_slice %arg6[%dma_wait3A_185, %dma_wait3A_186, %dma_wait3A_187] : memref<2x128x128xi32, #tpu.memory_space<vmem>> -> memref<1x128x128xi32, #tpu.memory_space<vmem>>
    %dma_wait3A_189 = tpu.memref_squeeze %dma_wait3A_188 : memref<1x128x128xi32, #tpu.memory_space<vmem>> -> memref<128x128xi32, #tpu.memory_space<vmem>>
    %dma_wait3A_190 = arith.constant 0 : i32
    %dma_wait3A_191 = tpu.memref_slice %arg4[%add3A_144, %dma_wait3A_190] : memref<16384x128xi32, #tpu.memory_space<hbm>> -> memref<128x128xi32, #tpu.memory_space<hbm>>
    %dma_wait3A_192 = arith.constant 0 : i32
    %dma_wait3A_193 = tpu.memref_slice %arg4[%add3A_144, %dma_wait3A_192] : memref<16384x128xi32, #tpu.memory_space<hbm>> -> memref<128x128xi32, #tpu.memory_space<hbm>>
    %dma_wait3A_194 = arith.constant 0 : i32
    %dma_wait3A_195 = arith.constant 0 : i32
    %dma_wait3A_196 = tpu.memref_slice %arg6[%dma_wait3A_185, %dma_wait3A_194, %dma_wait3A_195] : memref<2x128x128xi32, #tpu.memory_space<vmem>> -> memref<1x128x128xi32, #tpu.memory_space<vmem>>
    %dma_wait3A_197 = tpu.memref_squeeze %dma_wait3A_196 : memref<1x128x128xi32, #tpu.memory_space<vmem>> -> memref<128x128xi32, #tpu.memory_space<vmem>>
    tpu.wait_dma2 semaphore(%arg9 : memref<!tpu.dma_semaphore, #tpu.memory_space<semaphore_mem>>) src(%dma_wait3A_197 : memref<128x128xi32, #tpu.memory_space<vmem>>) dst(%dma_wait3A_193 : memref<128x128xi32, #tpu.memory_space<hbm>>)
    %dma_wait3A_198 = arith.constant 1 : i32
    %dma_wait3A_199 = arith.constant 0 : i32
    %dma_wait3A_200 = arith.constant 0 : i32
    %dma_wait3A_201 = tpu.memref_slice %arg6[%dma_wait3A_198, %dma_wait3A_199, %dma_wait3A_200] : memref<2x128x128xi32, #tpu.memory_space<vmem>> -> memref<1x128x128xi32, #tpu.memory_space<vmem>>
    %dma_wait3A_202 = tpu.memref_squeeze %dma_wait3A_201 : memref<1x128x128xi32, #tpu.memory_space<vmem>> -> memref<128x128xi32, #tpu.memory_space<vmem>>
    %dma_wait3A_203 = arith.constant 0 : i32
    %dma_wait3A_204 = tpu.memref_slice %arg4[%add3A_171, %dma_wait3A_203] : memref<16384x128xi32, #tpu.memory_space<hbm>> -> memref<128x128xi32, #tpu.memory_space<hbm>>
    %dma_wait3A_205 = arith.constant 0 : i32
    %dma_wait3A_206 = tpu.memref_slice %arg4[%add3A_171, %dma_wait3A_205] : memref<16384x128xi32, #tpu.memory_space<hbm>> -> memref<128x128xi32, #tpu.memory_space<hbm>>
    %dma_wait3A_207 = arith.constant 0 : i32
    %dma_wait3A_208 = arith.constant 0 : i32
    %dma_wait3A_209 = tpu.memref_slice %arg6[%dma_wait3A_198, %dma_wait3A_207, %dma_wait3A_208] : memref<2x128x128xi32, #tpu.memory_space<vmem>> -> memref<1x128x128xi32, #tpu.memory_space<vmem>>
    %dma_wait3A_210 = tpu.memref_squeeze %dma_wait3A_209 : memref<1x128x128xi32, #tpu.memory_space<vmem>> -> memref<128x128xi32, #tpu.memory_space<vmem>>
    tpu.wait_dma2 semaphore(%arg10 : memref<!tpu.dma_semaphore, #tpu.memory_space<semaphore_mem>>) src(%dma_wait3A_210 : memref<128x128xi32, #tpu.memory_space<vmem>>) dst(%dma_wait3A_206 : memref<128x128xi32, #tpu.memory_space<hbm>>)
    return
  }
}

module attributes {stable_mosaic.version = 14 : i64} {
  func.func @_premul_body(%arg0: i32, %arg1: memref<32x12288xf32, #tpu.memory_space<vmem>>, %arg2: memref<32x64xf32, #tpu.memory_space<vmem>>, %arg3: memref<3072x128xi32, #tpu.memory_space<vmem>>) attributes {dimension_semantics = [#tpu.dimension_semantics<arbitrary>], iteration_bounds = array<i64: 82>, scalar_prefetch = 0 : i64, scratch_operands = 0 : i64, tpu.core_type = #tpu.core_type<tc>, window_params = [{transform_indices = @transform_0, window_bounds = array<i64: 32, 12288>}, {pipeline_mode = #tpu.pipeline_mode<synchronous>, transform_indices = @transform_1, window_bounds = array<i64: 32, 64>}, {transform_indices = @transform_2, window_bounds = array<i64: 3072, 128>}]} {
    %get3A = arith.constant 0 : index
    %get3A_0 = arith.constant 0 : index
    %get3A_1 = vector.load %arg1[%get3A, %get3A_0] : memref<32x12288xf32, #tpu.memory_space<vmem>>, vector<32x12288xf32>
    %convert_element_type3A = arith.truncf %get3A_1 : vector<32x12288xf32> to vector<32x12288xbf16>
    %get3A_2 = arith.constant 0 : index
    %get3A_3 = arith.constant 0 : index
    %get3A_4 = vector.load %arg2[%get3A_2, %get3A_3] : memref<32x64xf32, #tpu.memory_space<vmem>>, vector<32x64xf32>
    %convert_element_type3A_5 = arith.truncf %get3A_4 : vector<32x64xf32> to vector<32x64xbf16>
    %slice3A = vector.extract_strided_slice %convert_element_type3A {offsets = [0, 0], sizes = [32, 3072], strides = [1, 1]} : vector<32x12288xbf16> to vector<32x3072xbf16>
    %dot_general3A = arith.constant dense<0.000000e+00> : vector<3072x64xf32>
    %dot_general3A_6 = tpu.matmul %slice3A, %convert_element_type3A_5, %dot_general3A {dimension_numbers = #tpu.dot_dimension_numbers<[0], [0], [1], [1], [0, 1, 1, 1], [], []>, transpose_lhs_hint = true} : vector<32x3072xbf16>, vector<32x64xbf16>, vector<3072x64xf32> -> vector<3072x64xf32>
    %convert_element_type3A_7 = arith.truncf %dot_general3A_6 : vector<3072x64xf32> to vector<3072x64xbf16>
    %bitcast_convert_type3A = tpu.bitcast %convert_element_type3A_7 : vector<3072x64xbf16> -> vector<3072x64xi16>
    %convert_element_type3A_8 = arith.extui %bitcast_convert_type3A : vector<3072x64xi16> to vector<3072x64xi32>
    %slice3A_9 = vector.extract_strided_slice %convert_element_type3A {offsets = [0, 3072], sizes = [32, 3072], strides = [1, 1]} : vector<32x12288xbf16> to vector<32x3072xbf16>
    %dot_general3A_10 = arith.constant dense<0.000000e+00> : vector<3072x64xf32>
    %dot_general3A_11 = tpu.matmul %slice3A_9, %convert_element_type3A_5, %dot_general3A_10 {dimension_numbers = #tpu.dot_dimension_numbers<[0], [0], [1], [1], [0, 1, 1, 1], [], []>, transpose_lhs_hint = true} : vector<32x3072xbf16>, vector<32x64xbf16>, vector<3072x64xf32> -> vector<3072x64xf32>
    %convert_element_type3A_12 = arith.truncf %dot_general3A_11 : vector<3072x64xf32> to vector<3072x64xbf16>
    %bitcast_convert_type3A_13 = tpu.bitcast %convert_element_type3A_12 : vector<3072x64xbf16> -> vector<3072x64xi16>
    %convert_element_type3A_14 = arith.extui %bitcast_convert_type3A_13 : vector<3072x64xi16> to vector<3072x64xi32>
    %slice3A_15 = vector.extract_strided_slice %convert_element_type3A {offsets = [0, 6144], sizes = [32, 3072], strides = [1, 1]} : vector<32x12288xbf16> to vector<32x3072xbf16>
    %dot_general3A_16 = arith.constant dense<0.000000e+00> : vector<3072x64xf32>
    %dot_general3A_17 = tpu.matmul %slice3A_15, %convert_element_type3A_5, %dot_general3A_16 {dimension_numbers = #tpu.dot_dimension_numbers<[0], [0], [1], [1], [0, 1, 1, 1], [], []>, transpose_lhs_hint = true} : vector<32x3072xbf16>, vector<32x64xbf16>, vector<3072x64xf32> -> vector<3072x64xf32>
    %convert_element_type3A_18 = arith.truncf %dot_general3A_17 : vector<3072x64xf32> to vector<3072x64xbf16>
    %bitcast_convert_type3A_19 = tpu.bitcast %convert_element_type3A_18 : vector<3072x64xbf16> -> vector<3072x64xi16>
    %convert_element_type3A_20 = arith.extui %bitcast_convert_type3A_19 : vector<3072x64xi16> to vector<3072x64xi32>
    %slice3A_21 = vector.extract_strided_slice %convert_element_type3A {offsets = [0, 9216], sizes = [32, 3072], strides = [1, 1]} : vector<32x12288xbf16> to vector<32x3072xbf16>
    %dot_general3A_22 = arith.constant dense<0.000000e+00> : vector<3072x64xf32>
    %dot_general3A_23 = tpu.matmul %slice3A_21, %convert_element_type3A_5, %dot_general3A_22 {dimension_numbers = #tpu.dot_dimension_numbers<[0], [0], [1], [1], [0, 1, 1, 1], [], []>, transpose_lhs_hint = true} : vector<32x3072xbf16>, vector<32x64xbf16>, vector<3072x64xf32> -> vector<3072x64xf32>
    %convert_element_type3A_24 = arith.truncf %dot_general3A_23 : vector<3072x64xf32> to vector<3072x64xbf16>
    %bitcast_convert_type3A_25 = tpu.bitcast %convert_element_type3A_24 : vector<3072x64xbf16> -> vector<3072x64xi16>
    %convert_element_type3A_26 = arith.extui %bitcast_convert_type3A_25 : vector<3072x64xi16> to vector<3072x64xi32>
    %shift_left3A = arith.constant 16 : i32
    %shift_left3A_27 = vector.broadcast %shift_left3A : i32 to vector<3072x64xi32>
    %shift_left3A_28 = arith.shli %convert_element_type3A_14, %shift_left3A_27 : vector<3072x64xi32>
    %or3A = arith.ori %convert_element_type3A_8, %shift_left3A_28 : vector<3072x64xi32>
    %bitcast_convert_type3A_29 = tpu.bitcast %or3A : vector<3072x64xi32> -> vector<3072x64xi32>
    %swap3A = arith.constant 0 : index
    %swap3A_30 = arith.constant 0 : index
    %swap3A_31 = vector.load %arg3[%swap3A, %swap3A_30] : memref<3072x128xi32, #tpu.memory_space<vmem>>, vector<3072x64xi32>
    tpu.vector_store %arg3[%swap3A, %swap3A_30], %bitcast_convert_type3A_29 {strides = array<i32>} : memref<3072x128xi32, #tpu.memory_space<vmem>>, vector<3072x64xi32>,
    %shift_left3A_32 = arith.constant 16 : i32
    %shift_left3A_33 = vector.broadcast %shift_left3A_32 : i32 to vector<3072x64xi32>
    %shift_left3A_34 = arith.shli %convert_element_type3A_26, %shift_left3A_33 : vector<3072x64xi32>
    %or3A_35 = arith.ori %convert_element_type3A_20, %shift_left3A_34 : vector<3072x64xi32>
    %bitcast_convert_type3A_36 = tpu.bitcast %or3A_35 : vector<3072x64xi32> -> vector<3072x64xi32>
    %swap3A_37 = arith.constant 0 : index
    %swap3A_38 = arith.constant 64 : index
    %swap3A_39 = vector.load %arg3[%swap3A_37, %swap3A_38] : memref<3072x128xi32, #tpu.memory_space<vmem>>, vector<3072x64xi32>
    tpu.vector_store %arg3[%swap3A_37, %swap3A_38], %bitcast_convert_type3A_36 {strides = array<i32>} : memref<3072x128xi32, #tpu.memory_space<vmem>>, vector<3072x64xi32>,
    return
  }
  func.func @transform_0(%arg0: i32) -> (i32, i32) {
    %c0_i32 = arith.constant 0 : i32
    %c0_i32_0 = arith.constant 0 : i32
    return %c0_i32, %arg0 : i32, i32
  }
  func.func @transform_1(%arg0: i32) -> (i32, i32) {
    %c0_i32 = arith.constant 0 : i32
    %c0_i32_0 = arith.constant 0 : i32
    %c0_i32_1 = arith.constant 0 : i32
    return %c0_i32, %c0_i32_0 : i32, i32
  }
  func.func @transform_2(%arg0: i32) -> (i32, i32) {
    %c0_i32 = arith.constant 0 : i32
    %c0_i32_0 = arith.constant 0 : i32
    return %arg0, %c0_i32 : i32, i32
  }
}

module attributes {stable_mosaic.version = 14 : i64} {
  func.func @_mlp_body(%arg0: i32, %arg1: memref<2048x128xi32, #tpu.memory_space<vmem>>, %arg2: memref<2048x128xi32, #tpu.memory_space<vmem>>, %arg3: memref<2048x1xi32, #tpu.memory_space<vmem>>, %arg4: memref<2048x1xi32, #tpu.memory_space<vmem>>, %arg5: memref<2048x32xf32, #tpu.memory_space<vmem>>, %arg6: memref<32x64xf32, #tpu.memory_space<vmem>>, %arg7: memref<1x64xf32, #tpu.memory_space<vmem>>, %arg8: memref<1x64xf32, #tpu.memory_space<vmem>>, %arg9: memref<1xf32, #tpu.memory_space<smem>>, %arg10: memref<2048xf32, #tpu.memory_space<vmem>>) attributes {dimension_semantics = [#tpu.dimension_semantics<arbitrary>], iteration_bounds = array<i64: 8>, scalar_prefetch = 0 : i64, scratch_operands = 0 : i64, tpu.core_type = #tpu.core_type<tc>, window_params = [{transform_indices = @transform_0, window_bounds = array<i64: 2048, 128>}, {transform_indices = @transform_1, window_bounds = array<i64: 2048, 128>}, {transform_indices = @transform_2, window_bounds = array<i64: 2048, 1>}, {transform_indices = @transform_3, window_bounds = array<i64: 2048, 1>}, {transform_indices = @transform_4, window_bounds = array<i64: 2048, 32>}, {pipeline_mode = #tpu.pipeline_mode<synchronous>, transform_indices = @transform_5, window_bounds = array<i64: 32, 64>}, {pipeline_mode = #tpu.pipeline_mode<synchronous>, transform_indices = @transform_6, window_bounds = array<i64: 1, 64>}, {pipeline_mode = #tpu.pipeline_mode<synchronous>, transform_indices = @transform_7, window_bounds = array<i64: 1, 64>}, {transform_indices = @transform_8, window_bounds = array<i64: 1>}, {transform_indices = @transform_9, window_bounds = array<i64: 2048>}]} {
    %get3A = arith.constant 0 : index
    %get3A_0 = arith.constant 0 : index
    %get3A_1 = vector.load %arg3[%get3A, %get3A_0] : memref<2048x1xi32, #tpu.memory_space<vmem>>, vector<2048x1xi32>
    %get3A_2 = arith.constant 0 : index
    %get3A_3 = arith.constant 0 : index
    %get3A_4 = vector.load %arg4[%get3A_2, %get3A_3] : memref<2048x1xi32, #tpu.memory_space<vmem>>, vector<2048x1xi32>
    %get3A_5 = arith.constant 0 : index
    %get3A_6 = arith.constant 0 : index
    %get3A_7 = vector.load %arg5[%get3A_5, %get3A_6] : memref<2048x32xf32, #tpu.memory_space<vmem>>, vector<2048x32xf32>
    %get3A_8 = arith.constant 0 : index
    %get3A_9 = arith.constant 0 : index
    %get3A_10 = vector.load %arg6[%get3A_8, %get3A_9] : memref<32x64xf32, #tpu.memory_space<vmem>>, vector<32x64xf32>
    %dot_general3A = arith.constant dense<0.000000e+00> : vector<2048x64xf32>
    %dot_general3A_11 = tpu.matmul %get3A_7, %get3A_10, %dot_general3A {dimension_numbers = #tpu.dot_dimension_numbers<[1], [0], [0], [1], [0, 0, 1, 1], [], []>, transpose_lhs_hint = false} : vector<2048x32xf32>, vector<32x64xf32>, vector<2048x64xf32> -> vector<2048x64xf32>
    %get3A_12 = arith.constant 0 : index
    %get3A_13 = arith.constant 0 : index
    %get3A_14 = vector.load %arg1[%get3A_12, %get3A_13] : memref<2048x128xi32, #tpu.memory_space<vmem>>, vector<2048x64xi32>
    %bitcast_convert_type3A = tpu.bitcast %get3A_14 : vector<2048x64xi32> -> vector<2048x64xi32>
    %shift_left3A = arith.constant 16 : i32
    %shift_left3A_15 = vector.broadcast %shift_left3A : i32 to vector<2048x64xi32>
    %shift_left3A_16 = arith.shli %bitcast_convert_type3A, %shift_left3A_15 : vector<2048x64xi32>
    %bitcast_convert_type3A_17 = tpu.bitcast %shift_left3A_16 : vector<2048x64xi32> -> vector<2048x64xf32>
    %and3A = arith.constant -65536 : i32
    %and3A_18 = vector.broadcast %and3A : i32 to vector<2048x64xi32>
    %and3A_19 = arith.andi %bitcast_convert_type3A, %and3A_18 : vector<2048x64xi32>
    %bitcast_convert_type3A_20 = tpu.bitcast %and3A_19 : vector<2048x64xi32> -> vector<2048x64xf32>
    %get3A_21 = arith.constant 0 : index
    %get3A_22 = arith.constant 64 : index
    %get3A_23 = vector.load %arg1[%get3A_21, %get3A_22] : memref<2048x128xi32, #tpu.memory_space<vmem>>, vector<2048x64xi32>
    %bitcast_convert_type3A_24 = tpu.bitcast %get3A_23 : vector<2048x64xi32> -> vector<2048x64xi32>
    %shift_left3A_25 = arith.constant 16 : i32
    %shift_left3A_26 = vector.broadcast %shift_left3A_25 : i32 to vector<2048x64xi32>
    %shift_left3A_27 = arith.shli %bitcast_convert_type3A_24, %shift_left3A_26 : vector<2048x64xi32>
    %bitcast_convert_type3A_28 = tpu.bitcast %shift_left3A_27 : vector<2048x64xi32> -> vector<2048x64xf32>
    %and3A_29 = arith.constant -65536 : i32
    %and3A_30 = vector.broadcast %and3A_29 : i32 to vector<2048x64xi32>
    %and3A_31 = arith.andi %bitcast_convert_type3A_24, %and3A_30 : vector<2048x64xi32>
    %bitcast_convert_type3A_32 = tpu.bitcast %and3A_31 : vector<2048x64xi32> -> vector<2048x64xf32>
    %get3A_33 = arith.constant 0 : index
    %get3A_34 = arith.constant 0 : index
    %get3A_35 = vector.load %arg2[%get3A_33, %get3A_34] : memref<2048x128xi32, #tpu.memory_space<vmem>>, vector<2048x64xi32>
    %bitcast_convert_type3A_36 = tpu.bitcast %get3A_35 : vector<2048x64xi32> -> vector<2048x64xi32>
    %shift_left3A_37 = arith.constant 16 : i32
    %shift_left3A_38 = vector.broadcast %shift_left3A_37 : i32 to vector<2048x64xi32>
    %shift_left3A_39 = arith.shli %bitcast_convert_type3A_36, %shift_left3A_38 : vector<2048x64xi32>
    %bitcast_convert_type3A_40 = tpu.bitcast %shift_left3A_39 : vector<2048x64xi32> -> vector<2048x64xf32>
    %and3A_41 = arith.constant -65536 : i32
    %and3A_42 = vector.broadcast %and3A_41 : i32 to vector<2048x64xi32>
    %and3A_43 = arith.andi %bitcast_convert_type3A_36, %and3A_42 : vector<2048x64xi32>
    %bitcast_convert_type3A_44 = tpu.bitcast %and3A_43 : vector<2048x64xi32> -> vector<2048x64xf32>
    %get3A_45 = arith.constant 0 : index
    %get3A_46 = arith.constant 64 : index
    %get3A_47 = vector.load %arg2[%get3A_45, %get3A_46] : memref<2048x128xi32, #tpu.memory_space<vmem>>, vector<2048x64xi32>
    %bitcast_convert_type3A_48 = tpu.bitcast %get3A_47 : vector<2048x64xi32> -> vector<2048x64xi32>
    %shift_left3A_49 = arith.constant 16 : i32
    %shift_left3A_50 = vector.broadcast %shift_left3A_49 : i32 to vector<2048x64xi32>
    %shift_left3A_51 = arith.shli %bitcast_convert_type3A_48, %shift_left3A_50 : vector<2048x64xi32>
    %bitcast_convert_type3A_52 = tpu.bitcast %shift_left3A_51 : vector<2048x64xi32> -> vector<2048x64xf32>
    %and3A_53 = arith.constant -65536 : i32
    %and3A_54 = vector.broadcast %and3A_53 : i32 to vector<2048x64xi32>
    %and3A_55 = arith.andi %bitcast_convert_type3A_48, %and3A_54 : vector<2048x64xi32>
    %bitcast_convert_type3A_56 = tpu.bitcast %and3A_55 : vector<2048x64xi32> -> vector<2048x64xf32>
    %eq3A = arith.constant 0 : i32
    %eq3A_57 = vector.broadcast %eq3A : i32 to vector<2048x1xi32>
    %eq3A_58 = arith.cmpi eq, %get3A_1, %eq3A_57 : vector<2048x1xi32>
    %jit3A = arith.constant 0.000000e+00 : f32
    %broadcast_in_dim3A = vector.shape_cast %eq3A_58 : vector<2048x1xi1> to vector<2048x1xi1>
    %broadcast_in_dim3A_59 = vector.broadcast %broadcast_in_dim3A : vector<2048x1xi1> to vector<2048x64xi1>
    %broadcast_in_dim3A_60 = vector.broadcast %jit3A : f32 to vector<2048x64xf32>
    %select_n3A = arith.select %broadcast_in_dim3A_59, %bitcast_convert_type3A_17, %broadcast_in_dim3A_60 : vector<2048x64xi1>, vector<2048x64xf32>
    %add3A = arith.addf %dot_general3A_11, %select_n3A : vector<2048x64xf32>
    %eq3A_61 = arith.constant 0 : i32
    %eq3A_62 = vector.broadcast %eq3A_61 : i32 to vector<2048x1xi32>
    %eq3A_63 = arith.cmpi eq, %get3A_4, %eq3A_62 : vector<2048x1xi32>
    %jit3A_64 = arith.constant 0.000000e+00 : f32
    %broadcast_in_dim3A_65 = vector.shape_cast %eq3A_63 : vector<2048x1xi1> to vector<2048x1xi1>
    %broadcast_in_dim3A_66 = vector.broadcast %broadcast_in_dim3A_65 : vector<2048x1xi1> to vector<2048x64xi1>
    %broadcast_in_dim3A_67 = vector.broadcast %jit3A_64 : f32 to vector<2048x64xf32>
    %select_n3A_68 = arith.select %broadcast_in_dim3A_66, %bitcast_convert_type3A_40, %broadcast_in_dim3A_67 : vector<2048x64xi1>, vector<2048x64xf32>
    %add3A_69 = arith.addf %add3A, %select_n3A_68 : vector<2048x64xf32>
    %eq3A_70 = arith.constant 1 : i32
    %eq3A_71 = vector.broadcast %eq3A_70 : i32 to vector<2048x1xi32>
    %eq3A_72 = arith.cmpi eq, %get3A_1, %eq3A_71 : vector<2048x1xi32>
    %jit3A_73 = arith.constant 0.000000e+00 : f32
    %broadcast_in_dim3A_74 = vector.shape_cast %eq3A_72 : vector<2048x1xi1> to vector<2048x1xi1>
    %broadcast_in_dim3A_75 = vector.broadcast %broadcast_in_dim3A_74 : vector<2048x1xi1> to vector<2048x64xi1>
    %broadcast_in_dim3A_76 = vector.broadcast %jit3A_73 : f32 to vector<2048x64xf32>
    %select_n3A_77 = arith.select %broadcast_in_dim3A_75, %bitcast_convert_type3A_20, %broadcast_in_dim3A_76 : vector<2048x64xi1>, vector<2048x64xf32>
    %add3A_78 = arith.addf %add3A_69, %select_n3A_77 : vector<2048x64xf32>
    %eq3A_79 = arith.constant 1 : i32
    %eq3A_80 = vector.broadcast %eq3A_79 : i32 to vector<2048x1xi32>
    %eq3A_81 = arith.cmpi eq, %get3A_4, %eq3A_80 : vector<2048x1xi32>
    %jit3A_82 = arith.constant 0.000000e+00 : f32
    %broadcast_in_dim3A_83 = vector.shape_cast %eq3A_81 : vector<2048x1xi1> to vector<2048x1xi1>
    %broadcast_in_dim3A_84 = vector.broadcast %broadcast_in_dim3A_83 : vector<2048x1xi1> to vector<2048x64xi1>
    %broadcast_in_dim3A_85 = vector.broadcast %jit3A_82 : f32 to vector<2048x64xf32>
    %select_n3A_86 = arith.select %broadcast_in_dim3A_84, %bitcast_convert_type3A_44, %broadcast_in_dim3A_85 : vector<2048x64xi1>, vector<2048x64xf32>
    %add3A_87 = arith.addf %add3A_78, %select_n3A_86 : vector<2048x64xf32>
    %eq3A_88 = arith.constant 2 : i32
    %eq3A_89 = vector.broadcast %eq3A_88 : i32 to vector<2048x1xi32>
    %eq3A_90 = arith.cmpi eq, %get3A_1, %eq3A_89 : vector<2048x1xi32>
    %jit3A_91 = arith.constant 0.000000e+00 : f32
    %broadcast_in_dim3A_92 = vector.shape_cast %eq3A_90 : vector<2048x1xi1> to vector<2048x1xi1>
    %broadcast_in_dim3A_93 = vector.broadcast %broadcast_in_dim3A_92 : vector<2048x1xi1> to vector<2048x64xi1>
    %broadcast_in_dim3A_94 = vector.broadcast %jit3A_91 : f32 to vector<2048x64xf32>
    %select_n3A_95 = arith.select %broadcast_in_dim3A_93, %bitcast_convert_type3A_28, %broadcast_in_dim3A_94 : vector<2048x64xi1>, vector<2048x64xf32>
    %add3A_96 = arith.addf %add3A_87, %select_n3A_95 : vector<2048x64xf32>
    %eq3A_97 = arith.constant 2 : i32
    %eq3A_98 = vector.broadcast %eq3A_97 : i32 to vector<2048x1xi32>
    %eq3A_99 = arith.cmpi eq, %get3A_4, %eq3A_98 : vector<2048x1xi32>
    %jit3A_100 = arith.constant 0.000000e+00 : f32
    %broadcast_in_dim3A_101 = vector.shape_cast %eq3A_99 : vector<2048x1xi1> to vector<2048x1xi1>
    %broadcast_in_dim3A_102 = vector.broadcast %broadcast_in_dim3A_101 : vector<2048x1xi1> to vector<2048x64xi1>
    %broadcast_in_dim3A_103 = vector.broadcast %jit3A_100 : f32 to vector<2048x64xf32>
    %select_n3A_104 = arith.select %broadcast_in_dim3A_102, %bitcast_convert_type3A_52, %broadcast_in_dim3A_103 : vector<2048x64xi1>, vector<2048x64xf32>
    %add3A_105 = arith.addf %add3A_96, %select_n3A_104 : vector<2048x64xf32>
    %eq3A_106 = arith.constant 3 : i32
    %eq3A_107 = vector.broadcast %eq3A_106 : i32 to vector<2048x1xi32>
    %eq3A_108 = arith.cmpi eq, %get3A_1, %eq3A_107 : vector<2048x1xi32>
    %jit3A_109 = arith.constant 0.000000e+00 : f32
    %broadcast_in_dim3A_110 = vector.shape_cast %eq3A_108 : vector<2048x1xi1> to vector<2048x1xi1>
    %broadcast_in_dim3A_111 = vector.broadcast %broadcast_in_dim3A_110 : vector<2048x1xi1> to vector<2048x64xi1>
    %broadcast_in_dim3A_112 = vector.broadcast %jit3A_109 : f32 to vector<2048x64xf32>
    %select_n3A_113 = arith.select %broadcast_in_dim3A_111, %bitcast_convert_type3A_32, %broadcast_in_dim3A_112 : vector<2048x64xi1>, vector<2048x64xf32>
    %add3A_114 = arith.addf %add3A_105, %select_n3A_113 : vector<2048x64xf32>
    %eq3A_115 = arith.constant 3 : i32
    %eq3A_116 = vector.broadcast %eq3A_115 : i32 to vector<2048x1xi32>
    %eq3A_117 = arith.cmpi eq, %get3A_4, %eq3A_116 : vector<2048x1xi32>
    %jit3A_118 = arith.constant 0.000000e+00 : f32
    %broadcast_in_dim3A_119 = vector.shape_cast %eq3A_117 : vector<2048x1xi1> to vector<2048x1xi1>
    %broadcast_in_dim3A_120 = vector.broadcast %broadcast_in_dim3A_119 : vector<2048x1xi1> to vector<2048x64xi1>
    %broadcast_in_dim3A_121 = vector.broadcast %jit3A_118 : f32 to vector<2048x64xf32>
    %select_n3A_122 = arith.select %broadcast_in_dim3A_120, %bitcast_convert_type3A_56, %broadcast_in_dim3A_121 : vector<2048x64xi1>, vector<2048x64xf32>
    %add3A_123 = arith.addf %add3A_114, %select_n3A_122 : vector<2048x64xf32>
    %get3A_124 = arith.constant 0 : index
    %get3A_125 = arith.constant 0 : index
    %get3A_126 = vector.load %arg7[%get3A_124, %get3A_125] : memref<1x64xf32, #tpu.memory_space<vmem>>, vector<1x64xf32>
    %add3A_127 = vector.broadcast %get3A_126 : vector<1x64xf32> to vector<2048x64xf32>
    %add3A_128 = arith.addf %add3A_123, %add3A_127 : vector<2048x64xf32>
    %max3A = arith.constant 0.000000e+00 : f32
    %max3A_129 = vector.broadcast %max3A : f32 to vector<2048x64xf32>
    %max3A_130 = arith.maximumf %add3A_128, %max3A_129 : vector<2048x64xf32>
    %get3A_131 = arith.constant 0 : index
    %get3A_132 = arith.constant 0 : index
    %get3A_133 = vector.load %arg8[%get3A_131, %get3A_132] : memref<1x64xf32, #tpu.memory_space<vmem>>, vector<1x64xf32>
    %mul3A = vector.broadcast %get3A_133 : vector<1x64xf32> to vector<2048x64xf32>
    %mul3A_134 = arith.mulf %max3A_130, %mul3A : vector<2048x64xf32>
    %reduce_sum3A = arith.constant dense<0.000000e+00> : vector<2048xf32>
    %reduce_sum3A_135 = vector.multi_reduction <add>, %mul3A_134, %reduce_sum3A [1] : vector<2048x64xf32> to vector<2048xf32>
    %get3A_136 = arith.constant 0 : index
    %get3A_137 = memref.load %arg9[%get3A_136] : memref<1xf32, #tpu.memory_space<smem>>
    %add3A_138 = vector.broadcast %get3A_137 : f32 to vector<2048xf32>
    %add3A_139 = arith.addf %reduce_sum3A_135, %add3A_138 : vector<2048xf32>
    %swap3A = arith.constant 0 : index
    %swap3A_140 = vector.load %arg10[%swap3A] : memref<2048xf32, #tpu.memory_space<vmem>>, vector<2048xf32>
    tpu.vector_store %arg10[%swap3A], %add3A_139 {strides = array<i32>} : memref<2048xf32, #tpu.memory_space<vmem>>, vector<2048xf32>,
    return
  }
  func.func @transform_0(%arg0: i32) -> (i32, i32) {
    %c0_i32 = arith.constant 0 : i32
    %c0_i32_0 = arith.constant 0 : i32
    return %arg0, %c0_i32 : i32, i32
  }
  func.func @transform_1(%arg0: i32) -> (i32, i32) {
    %c0_i32 = arith.constant 0 : i32
    %c0_i32_0 = arith.constant 0 : i32
    return %arg0, %c0_i32 : i32, i32
  }
  func.func @transform_2(%arg0: i32) -> (i32, i32) {
    %c0_i32 = arith.constant 0 : i32
    %c0_i32_0 = arith.constant 0 : i32
    return %arg0, %c0_i32 : i32, i32
  }
  func.func @transform_3(%arg0: i32) -> (i32, i32) {
    %c0_i32 = arith.constant 0 : i32
    %c0_i32_0 = arith.constant 0 : i32
    return %arg0, %c0_i32 : i32, i32
  }
  func.func @transform_4(%arg0: i32) -> (i32, i32) {
    %c0_i32 = arith.constant 0 : i32
    %c0_i32_0 = arith.constant 0 : i32
    return %arg0, %c0_i32 : i32, i32
  }
  func.func @transform_5(%arg0: i32) -> (i32, i32) {
    %c0_i32 = arith.constant 0 : i32
    %c0_i32_0 = arith.constant 0 : i32
    %c0_i32_1 = arith.constant 0 : i32
    return %c0_i32, %c0_i32_0 : i32, i32
  }
  func.func @transform_6(%arg0: i32) -> (i32, i32) {
    %c0_i32 = arith.constant 0 : i32
    %c0_i32_0 = arith.constant 0 : i32
    %c0_i32_1 = arith.constant 0 : i32
    return %c0_i32, %c0_i32_0 : i32, i32
  }
  func.func @transform_7(%arg0: i32) -> (i32, i32) {
    %c0_i32 = arith.constant 0 : i32
    %c0_i32_0 = arith.constant 0 : i32
    %c0_i32_1 = arith.constant 0 : i32
    return %c0_i32, %c0_i32_0 : i32, i32
  }
  func.func @transform_8(%arg0: i32) -> i32 {
    %c0_i32 = arith.constant 0 : i32
    %c0_i32_0 = arith.constant 0 : i32
    return %c0_i32 : i32
  }
  func.func @transform_9(%arg0: i32) -> i32 {
    %c0_i32 = arith.constant 0 : i32
    return %arg0 : i32
  }
}

</mosaic_0001>

<sc_bundles>
// kernel: kernel.10.cloned.1.call-start
scs
__scs_entry_jumppad:
0x0: {  	(pc) =	sbr.rel $0x88, $3  }
0x1: {  	(tag) =	ssettag $0x0;
	lr =	simm.s32 $0x1  }
0x2: {  	[smem:$0x3F98] =	sst lr;
	_ =	strace $0xD0000000  }
0x3: {  	_ = 	snop  }
0x4: {  	_ = 	snop  }
0x5: {  	_ = 	snop  }
0x6: {  	_ = 	snop  }
0x7: {  	_ = 	snop  }
__scs_overlays_trampoline_lowered:
0x8: {  	[smem:$0x3FA7] =	sst s0  }
0x9: {  	[smem:$0x3FA8] =	sst s1  }
0xa: {  	[smem:$0x3FA9] =	sst s2  }
0xb: {  	[smem:$0x3FAA] =	sst s3  }
0xc: {  	[smem:$0x3FAB] =	sst s4  }
0xd: {  	[smem:$0x3FAC] =	sst s5  }
0xe: {  	[smem:$0x3FAD] =	sst s6  }
0xf: {  	[smem:$0x3FAE] =	sst s7  }
0x10: {  	[smem:$0x3FAF] =	sst s8  }
0x11: {  	[smem:$0x3FB0] =	sst s9;
	s0 =	simm.s32 @!p0 $0x0  }
0x12: {  	s1 =	sld [smem:$0x3F96];
	s0 =	simm.s32 @p0 $0x1  }
0x13: {  	[smem:$0x3FB1] =	sst s0;
	s0 =	simm.s32 @!p1 $0x0  }
0x14: {  	s2 =	sld [smem:$0x3F95];
	s0 =	simm.s32 @p1 $0x1  }
0x15: {  	[smem:$0x3FB2] =	sst s0;
	s0 =	simm.s32 @!p2 $0x0  }
0x16: {  	s3 =	sld [smem:$0x3FDB];
	s0 =	simm.s32 @p2 $0x1  }
0x17: {  	s4 =	simm.s32 $0x1BF5;
	[smem:$0x3FB4] =	sst s0  }
0x18: {  	s0 =	sld [smem:$0x3F97];
	_ =	swait.ge [sflag:s4], $0x0  }
0x19: {  	s7 =	sld [smem:$0x3F98]  }
0x1a: {  	s8 =	sadd.s32 $0xFFFFE003, lr  }
0x1b: {  	s9 =	sadd.s32 $0xFFFFFEF7, lr;
	s5 =	simm.s32 $0xFFFFFFFF;
	p2 =	slt.u32 s8, $0xFFFFF086  }
0x1c: {  	p1 =	slt.u32 s9, $0xF7A;
	s5 =	simm.s32 @!p2 $0x0  }
0x1d: {  	s5 =	simm.s32 @p1 $0x1;
	p0 =	seq.s32 s7, s2  }
0x1e: {  	s7 =	smul.u32 @!p0 $0xF7A, s2;
	p2 =	seq.s32 @!p0 s5, $0x0  }
0x1f: {  	s9 =	smul.u32 $0xF7A, s1;
	s8 =	simm.s32 @!p0 $0x1BF5;
	p2 =	por !p2, p0  }
0x20: {  	[sflag:s8] =	ssyncset.s32 @!p0 $0xFFFFF086;
	s6 =	sadd.s32 @!p0 s3, s7;
	s7 =	simm.s32 @!p0 $0x108  }
0x21: {  	s3 =	sadd.s32 s3, s9;
	s6 =	sadd.s32 @!p0 $0x88, s6;
	s7 =	simm.s32 @p2 $0x1082  }
0x22: {  	[simem:s7], [sflag:s8] =	dma.local @!p0 [hbm:s6], $0xF7A  }
0x23: {  	s9 =	sor.u32 $0xD0000000, s2;
	s6 =	simm.s32 $0x108;
	_ =	swait.ge @!p0 [sflag:s8], $0x0  }
0x24: {  	s3 =	sadd.s32 $0x88, s3;
	s6 =	simm.s32 @!p1 $0x1082;
	[sflag:s4] =	ssyncset.s32 $0xFFFFF086  }
0x25: {  	[simem:s6], [sflag:s4] =	dma.local [hbm:s3], $0xF7A  }
0x26: {  	[smem:$0x3F98] =	sst s1;
	(tag) =	ssettag s2;
	_ =	strace s9  }
0x27: {  	s1 =	sld [smem:$0x3FA8]  }
0x28: {  	s2 =	sld [smem:$0x3FA9]  }
0x29: {  	s4 =	sld [smem:$0x3FAB]  }
0x2a: {  	p0 =	seq.s32 s5, $0x0;
	s5 =	sld [smem:$0x3FAC]  }
0x2b: {  	s6 =	sld [smem:$0x3FAD]  }
0x2c: {  	s7 =	sld [smem:$0x3FAE]  }
0x2d: {  	s3 =	simm.s32 $0x108;
	s8 =	sld [smem:$0x3FAF]  }
0x2e: {  	s3 =	simm.s32 @!p0 $0x1082;
	s9 =	sld [smem:$0x3FB0]  }
0x2f: {  	lr =	sadd.s32 s0, s3;
	s0 =	sld [smem:$0x3FA7]  }
0x30: {  	s3 =	sld [smem:$0x3FAA]  }
0x31: {  	[smem:$0x3FB3] =	sst s10  }
0x32: {  	s10 =	sld [smem:$0x3FB1];
	_ =	sdelay $0x3  }
0x33: {  	p0 =	seq.s32 s10, $0x1;
	s10 =	sld [smem:$0x3FB3];
	_ =	sdelay $0x3  }
0x34: {  	[smem:$0x3FB3] =	sst s10  }
0x35: {  	s10 =	sld [smem:$0x3FB2];
	_ =	sdelay $0x3  }
0x36: {  	p1 =	seq.s32 s10, $0x1;
	s10 =	sld [smem:$0x3FB3];
	_ =	sdelay $0x3  }
0x37: {  	[smem:$0x3FB3] =	sst s10  }
0x38: {  	s10 =	sld [smem:$0x3FB4]  }
0x39: {  	_ = 	snop;
	(pc) =	sbr.ind lr, $3  }
0x3a: {  	_ = 	snop  }
0x3b: {  	_ = 	snop  }
0x3c: {  	p2 =	seq.s32 s10, $0x1;
	s10 =	sld [smem:$0x3FB3]  }
0x3d: {  	_ =	shalt  }
0x3e: {  	_ =	shalt  }
0x3f: {  	_ =	shalt  }
0x40: {  	_ =	shalt  }
0x41: {  	_ =	shalt  }
0x42: {  	_ =	shalt  }
0x43: {  	_ =	shalt  }
0x44: {  	_ =	shalt  }
0x45: {  	_ =	shalt  }
0x46: {  	_ =	shalt  }
0x47: {  	_ =	shalt  }
0x48: {  	_ =	shalt  }
0x49: {  	_ =	shalt  }
0x4a: {  	_ =	shalt  }
0x4b: {  	_ =	shalt  }
0x4c: {  	_ =	shalt  }
0x4d: {  	_ =	shalt  }
0x4e: {  	_ =	shalt  }
0x4f: {  	_ =	shalt  }
0x50: {  	_ =	shalt  }
0x51: {  	_ =	shalt  }
0x52: {  	_ =	shalt  }
0x53: {  	_ =	shalt  }
0x54: {  	_ =	shalt  }
0x55: {  	_ =	shalt  }
0x56: {  	_ =	shalt  }
0x57: {  	_ =	shalt  }
0x58: {  	_ =	shalt  }
0x59: {  	_ =	shalt  }
0x5a: {  	_ =	shalt  }
0x5b: {  	_ =	shalt  }
0x5c: {  	_ =	shalt  }
0x5d: {  	_ =	shalt  }
0x5e: {  	_ =	shalt  }
0x5f: {  	_ =	shalt  }
0x60: {  	_ =	shalt  }
0x61: {  	_ =	shalt  }
0x62: {  	_ =	shalt  }
0x63: {  	_ =	shalt  }
0x64: {  	_ =	shalt  }
0x65: {  	_ =	shalt  }
0x66: {  	_ =	shalt  }
0x67: {  	_ =	shalt  }
0x68: {  	_ =	shalt  }
0x69: {  	_ =	shalt  }
0x6a: {  	_ =	shalt  }
0x6b: {  	_ =	shalt  }
0x6c: {  	_ =	shalt  }
0x6d: {  	_ =	shalt  }
0x6e: {  	_ =	shalt  }
0x6f: {  	_ =	shalt  }
0x70: {  	_ =	shalt  }
0x71: {  	_ =	shalt  }
0x72: {  	_ =	shalt  }
0x73: {  	_ =	shalt  }
0x74: {  	_ =	shalt  }
0x75: {  	_ =	shalt  }
0x76: {  	_ =	shalt  }
0x77: {  	_ =	shalt  }
0x78: {  	_ =	shalt  }
0x79: {  	_ =	shalt  }
0x7a: {  	_ =	shalt  }
0x7b: {  	_ =	shalt  }
0x7c: {  	_ =	shalt  }
0x7d: {  	_ =	shalt  }
0x7e: {  	_ =	shalt  }
0x7f: {  	_ =	shalt  }
0x80: {  	_ =	shalt  }
0x81: {  	_ =	shalt  }
0x82: {  	_ =	shalt  }
0x83: {  	_ =	shalt  }
0x84: {  	_ =	shalt  }
0x85: {  	_ =	shalt  }
0x86: {  	_ =	shalt  }
0x87: {  	_ =	shalt  }
.Lfunc_end0:
.L_simem_size_0:
called_computation.1_lowered:
.L_overlay_start_0:
0x88: {  	s2 =	sld [smem:$0x3FD9]  }
0x89: {  	s3 =	sld [smem:$0x3FFE];
	_ =	sdelay $0x1  }
0x8a: {  	s1 =	srdreg.scid  }
0x8b: {  	s0 =	sand.u32 $0x1, s1  }
0x8c: {  	s16 =	sshll.u32 s0, $0xA;
	s2 =	sadd.s32 s3, s2  }
0x8d: {  	s2 =	sadd.s32 s2, s16  }
0x8e: {  	[smem:$0x3FBF] =	sst s2  }
0x8f: {  	_ = 	snop  }
0x90: {  	(tm) =	ssettm $0x1  }
0x91: {  	s17 =	sld [smem:$0x3FFB];
	_ =	sdelay $0x3  }
0x92: {  	_ =	strace s17  }
0x93: {  	s2 =	sld [smem:$0x3FFC];
	_ =	sdelay $0x3  }
0x94: {  	_ =	strace s2  }
0x95: {  	s2 =	sld [smem:$0x3FFD];
	_ =	sdelay $0x3  }
0x96: {  	_ =	strace s2  }
0x97: {  	_ =	strace $0x8FFFFFFF  }
0x98: {  	s18 =	sld [smem:$0x3FDB];
	_ =	sdelay $0x1  }
0x99: {  	s19 =	simm.s32 $_scs_section_size  }
0x9a: {  	s4 =	simm.s32 $_size__tile_overlayer_lowered;
	s5 =	simm.s32 $_tile_overlayer_lowered  }
0x9b: {  	s22 =	simm.s32 $0x1BFF;
	s21 =	sshll.u32 s5, $0x1;
	s2 =	sadd.s32 s19, s18  }
0x9c: {  	s6 =	simm.s32 $0x0;
	s20 =	sshll.u32 s4, $0x1;
	s4 =	sadd.s32 s21, s2  }
0x9d: {  	[timem:s6], [sflag:s22] =	dma.local [hbm:s4], s20  }
0x9e: {  	_ =	swait.ge [sflag:s22], s20  }
0x9f: {  	s3 =	ssub.s32 $0x0, s20;
	[sflag:s22] =	ssyncset.done $0x0  }
0xa0: {  	[sflag:s22] =	ssyncadd.s32 s3;
	_ =	sdelay $0x1  }
0xa1: {  	s23 =	simm.s32 $0x1B8B  }
0xa2: {  	_ =	swait.ge [sflag:s23], $0x1  }
0xa3: {  	[sflag:s23] =	ssyncset.done $0x0  }
0xa4: {  	s25 =	simm.s32 $0x1B8E;
	s24 =	sld [smem:$0x3FFE];
	[sflag:s23] =	ssyncadd.s32 $0xFFFFFFFF  }
0xa5: {  	s26 =	simm.s32 $execute0_lowered;
	[smem:$0x3FD2] =	sst s25  }
0xa6: {  	s4 =	sshll.u32 s26, $0x1;
	_ =	strace $0x80000046;
	[dreg:$0x1] =	wrdreg $0xFFFFFFFF  }
0xa7: {  	s28 =	simm.s32 $_size_execute0_lowered;
	s2 =	sadd.s32 s2, s4;
	[dreg:$0x0] =	wrdreg $0x0  }
0xa8: {  	s4 =	sshll.u32 s28, $0x1;
	[dreg:$0x2] =	wrdreg s2  }
0xa9: {  	[dreg:$0x3] =	wrdreg s4  }
0xaa: {  	[dreg:$0x4] =	wrdreg $0xC0  }
0xab: {  	_ =	task [dreg:s6], $0x5FFFF  }
0xac: {  	[dreg:$0x1] =	wrdreg $0xFFFFFFFF  }
0xad: {  	[dreg:$0x0] =	wrdreg $0x60  }
0xae: {  	[dreg:$0x2] =	wrdreg s24  }
0xaf: {  	[dreg:$0x3] =	wrdreg $0xA  }
0xb0: {  	_ =	task.clear_ibuf [dreg:s6], $0x4FFFF;
	_ =	strace $0x90000046  }
0xb1: {  	s29 =	simm.s32 $0xA;
	_ =	strace $0x80000048  }
0xb2: {  	_ =	swait.ge [sflag:s29], $0x1  }
0xb3: {  	[sflag:s29] =	ssyncadd.s32 $0xFFFFFFFF  }
0xb4: {  	_ =	strace $0x90000048  }
0xb5: {  	_ =	sfence  }
0xb6: {  	s30 =	sld [smem:$0x0];
	_ =	sdelay $0x2  }
0xb7: {  	s31 =	sshll.u32 s1, $0xD;
	s1 =	sshrl.u32 s1, $0x2  }
0xb8: {  	s3 =	sand.u32 $0x4000, s31;
	s1 =	sadd.s32 s1, s30  }
0xb9: {  	s0 =	sor.u32 s3, s0;
	s1 =	sshll.u32 s1, $0x11  }
0xba: {  	s0 =	sor.u32 s1, s0  }
0xbb: {  	s0 =	sadd.s32 $0x8F2B, s0  }
0xbc: {  	[sflag:s0] =	ssyncadd.remote.s32 $0x1  }
0xbd: {  	_ =	sfence.sel $0xFFFF  }
0xbe: {  	[dreg:$0x0] =	wrdreg $0xFFFFFFFF;
	(pc) =	sbr.abs _section_cstart, $3  }
0xbf: {  	[dreg:$0x1] =	wrdreg $0xFFFFFFFF  }
0xc0: {  	_ =	task.clear_ibuf [dreg:s6], $0x2FFFF;
	_ =	strace $0x9FFFFFFF  }
0xc1: {  	(tm) =	ssettm $0x7FFFFFFF  }
tec
execute0_lowered:
.L_overlay_start_1:
0x0: {  	(tag) =	ssettag $0x1  }
0x1: {  	s0 =	srdreg.scid  }
0x2: {  	s10 =	rddreg [dreg:$0x0];
	s18 =	sand.u32 $0x1, s0  }
0x3: {  	s1 =	stileid.u32;
	s2 =	simm.s32 $0x0;
	s3 =	sshll.u32 s18, $0x6  }
0x4: {  	s0 =	rddreg [dreg:$0x1];
	s4 =	sshll.u32 s1, $0x7;
	s3 =	sadd.s32 s3, s10  }
0x5: {  	[smem:$0x7FF] =	sst s2;
	s3 =	sadd.s32 s4, s3  }
0x6: {  	_ =	strace $0x80000047;
	s4 =	simm.s32 $0x5;
	s3 =	sadd.s32 $0x2C00, s3  }
0x7: {  	[tilespmem:s2], [sflag:$0x5] =	stream.linear.gather [hbm4b:s3+s2], $0x200, $0x38;
	[tilespmem:$0x8200] =	vst v63  }
0x8: {  	_ =	swait.ge [sflag:s4], $0x200  }
0x9: {  	s6 =	simm.s32 $0x80;
	s7 =	simm.s32 $0x200;
	[sflag:s4] =	ssyncset.done $0x0  }
0xa: {  	s8 =	simm.s32 $0x4200;
	s5 =	sadd.s32 $0x3400, s10;
	[sflag:s4] =	ssyncadd.s32 $0xFFFFFE00  }
0xb: {  	[tilespmem:s7], [sflag:$0x1] =	stream.indirect.gather [hbm4b:s5+s6], $0x80, s2, s6, $0xb8;
	[tilespmem:$0x8200] =	vst v63  }
0xc: {  	s9 =	simm.s32 $0x1;
	s11 =	sshll.u32 s1, $0xE;
	s12 =	sshll.u32 s18, $0xD  }
0xd: {  	[tilespmem:s8], [sflag:$0x2] =	stream.indirect.gather [hbm4b:s5+s6], $0x80, s6, s6, $0xb8;
	[tilespmem:$0x8200] =	vst v63  }
0xe: {  	s11 =	sor.u32 s12, s11;
	_ =	swait.ge [sflag:s9], $0x4000  }
0xf: {  	s19 =	sadd.s32 s11, s10;
	[sflag:s9] =	ssyncset.done $0x0  }
0x10: {  	s11 =	simm.s32 $0x3;
	s10 =	sadd.s32 $0x3DB400, s19;
	[sflag:s9] =	ssyncadd.s32 $0xFFFFC000  }
0x11: {  	[hbm4b:s10+s2] =	stream.linear.scatter [tilespmem:s7], [sflag:$0x3], $0x4000, $0x38;
	[tilespmem:$0x8200] =	vst v63  }
0x12: {  	_ =	swait.ge [sflag:s11], $0x4000  }
0x13: {  	[sflag:s11] =	ssyncset.done $0x0  }
0x14: {  	s13 =	simm.s32 $0x2;
	s12 =	simm.s32 $0x100;
	[sflag:s11] =	ssyncadd.s32 $0xFFFFC000  }
0x15: {  	[tilespmem:s7], [sflag:$0x1] =	stream.indirect.gather [hbm4b:s5+s6], $0x80, s12, s6, $0xb8;
	[tilespmem:$0x8200] =	vst v63  }
0x16: {  	_ =	swait.ge [sflag:s13], $0x4000  }
0x17: {  	[sflag:s13] =	ssyncset.done $0x0  }
0x18: {  	s14 =	simm.s32 $0x4;
	s15 =	sadd.s32 $0x3DBC00, s19;
	[sflag:s13] =	ssyncadd.s32 $0xFFFFC000  }
0x19: {  	[hbm4b:s15+s2] =	stream.linear.scatter [tilespmem:s8], [sflag:$0x4], $0x4000, $0x38;
	[tilespmem:$0x8200] =	vst v63  }
0x1a: {  	_ =	swait.ge [sflag:s14], $0x4000  }
0x1b: {  	[sflag:s14] =	ssyncset.done $0x0  }
0x1c: {  	s16 =	simm.s32 $0x180;
	[sflag:s14] =	ssyncadd.s32 $0xFFFFC000  }
0x1d: {  	[tilespmem:s8], [sflag:$0x2] =	stream.indirect.gather [hbm4b:s5+s6], $0x80, s16, s6, $0xb8;
	[tilespmem:$0x8200] =	vst v63  }
0x1e: {  	_ =	swait.ge [sflag:s9], $0x4000  }
0x1f: {  	s20 =	ssub.s32 $0x2, s18;
	[sflag:s9] =	ssyncset.done $0x0  }
0x20: {  	s31 =	sshrl.u32 s20, $0x1;
	s17 =	sadd.s32 $0x3DC400, s19;
	[sflag:s9] =	ssyncadd.s32 $0xFFFFC000  }
0x21: {  	[hbm4b:s17+s2] =	stream.linear.scatter [tilespmem:s7], [sflag:$0x3], $0x4000, $0x38;
	[tilespmem:$0x8200] =	vst v63  }
0x22: {  	s18 =	sadd.s32 $0x3DCC00, s19;
	s19 =	ssub.s32 s20, s31;
	_ =	swait.ge [sflag:s13], $0x4000  }
0x23: {  	s19 =	smax.u32 s19, $0x1;
	[sflag:s13] =	ssyncset.done $0x0  }
0x24: {  	p0 =	sne.s32 s19, $0x1;
	[sflag:s13] =	ssyncadd.s32 $0xFFFFC000  }
0x25: {  	[hbm4b:s18+s2] =	stream.linear.scatter [tilespmem:s8], [sflag:$0x4], $0x4000, $0x38;
	[tilespmem:$0x8200] =	vst v63  }
.Ltmp0:
0x26: {  	_ =	swait.ge [sflag:s11], $0x4000;
	(pc) =	sbr.rel @!p0 .LBB2_2-.Ltmp0, $4  }
0x27: {  	[sflag:s11] =	ssyncset.done $0x0  }
0x28: {  	[sflag:s11] =	ssyncadd.s32 $0xFFFFC000  }
0x29: {  	_ =	swait.ge [sflag:s14], $0x4000  }
0x2a: {  	s19 =	sadd.s32 $0xFFFFFFFF, s19;
	[sflag:s14] =	ssyncset.done $0x0  }
.LBB2_1:
0x2b: {  	p0 =	sne.s32 s19, $0x1;
	s19 =	sadd.s32 $0xFFFFFFFF, s19;
	[sflag:s14] =	ssyncadd.s32 $0xFFFFC000  }
0x2c: {  	[tilespmem:s2], [sflag:$0x5] =	stream.linear.gather [hbm4b:s3+s2], $0x200, $0x38;
	[tilespmem:$0x8200] =	vst v63  }
0x2d: {  	_ =	swait.ge [sflag:s4], $0x200  }
0x2e: {  	[sflag:s4] =	ssyncset.done $0x0  }
0x2f: {  	[sflag:s4] =	ssyncadd.s32 $0xFFFFFE00  }
0x30: {  	[tilespmem:s7], [sflag:$0x1] =	stream.indirect.gather [hbm4b:s5+s6], $0x80, s2, s6, $0xb8;
	[tilespmem:$0x8200] =	vst v63  }
0x31: {  	_ = 	snop  }
0x32: {  	[tilespmem:s8], [sflag:$0x2] =	stream.indirect.gather [hbm4b:s5+s6], $0x80, s6, s6, $0xb8;
	[tilespmem:$0x8200] =	vst v63  }
0x33: {  	_ =	swait.ge [sflag:s9], $0x4000  }
0x34: {  	[sflag:s9] =	ssyncset.done $0x0  }
0x35: {  	[sflag:s9] =	ssyncadd.s32 $0xFFFFC000  }
0x36: {  	[hbm4b:s10+s2] =	stream.linear.scatter [tilespmem:s7], [sflag:$0x3], $0x4000, $0x38;
	[tilespmem:$0x8200] =	vst v63  }
0x37: {  	_ =	swait.ge [sflag:s11], $0x4000  }
0x38: {  	[sflag:s11] =	ssyncset.done $0x0  }
0x39: {  	[sflag:s11] =	ssyncadd.s32 $0xFFFFC000  }
0x3a: {  	[tilespmem:s7], [sflag:$0x1] =	stream.indirect.gather [hbm4b:s5+s6], $0x80, s12, s6, $0xb8;
	[tilespmem:$0x8200] =	vst v63  }
0x3b: {  	_ =	swait.ge [sflag:s13], $0x4000  }
0x3c: {  	[sflag:s13] =	ssyncset.done $0x0  }
0x3d: {  	[sflag:s13] =	ssyncadd.s32 $0xFFFFC000  }
0x3e: {  	[hbm4b:s15+s2] =	stream.linear.scatter [tilespmem:s8], [sflag:$0x4], $0x4000, $0x38;
	[tilespmem:$0x8200] =	vst v63  }
0x3f: {  	_ =	swait.ge [sflag:s14], $0x4000  }
0x40: {  	[sflag:s14] =	ssyncset.done $0x0  }
0x41: {  	[sflag:s14] =	ssyncadd.s32 $0xFFFFC000  }
0x42: {  	[tilespmem:s8], [sflag:$0x2] =	stream.indirect.gather [hbm4b:s5+s6], $0x80, s16, s6, $0xb8;
	[tilespmem:$0x8200] =	vst v63  }
0x43: {  	_ =	swait.ge [sflag:s9], $0x4000  }
0x44: {  	[sflag:s9] =	ssyncset.done $0x0  }
0x45: {  	[sflag:s9] =	ssyncadd.s32 $0xFFFFC000  }
0x46: {  	[hbm4b:s17+s2] =	stream.linear.scatter [tilespmem:s7], [sflag:$0x3], $0x4000, $0x38;
	[tilespmem:$0x8200] =	vst v63  }
0x47: {  	_ =	swait.ge [sflag:s13], $0x4000  }
0x48: {  	[sflag:s13] =	ssyncset.done $0x0  }
0x49: {  	[sflag:s13] =	ssyncadd.s32 $0xFFFFC000  }
0x4a: {  	[hbm4b:s18+s2] =	stream.linear.scatter [tilespmem:s8], [sflag:$0x4], $0x4000, $0x38;
	[tilespmem:$0x8200] =	vst v63  }
.Ltmp1:
0x4b: {  	_ =	swait.ge [sflag:s11], $0x4000;
	(pc) =	sbr.rel @p0 .LBB2_1-.Ltmp1, $4  }
0x4c: {  	[sflag:s11] =	ssyncset.done $0x0  }
0x4d: {  	[sflag:s11] =	ssyncadd.s32 $0xFFFFC000  }
0x4e: {  	_ =	swait.ge [sflag:s14], $0x4000  }
0x4f: {  	[sflag:s14] =	ssyncset.done $0x0  }
.LBB2_2:
0x50: {  	[sflag:s14] =	ssyncadd.s32 $0xFFFFC000  }
0x51: {  	_ =	sfence.sel $0x180000  }
0x52: {  	[bflag:$0x0] =	sbarrier.arrive $0xFFFF  }
0x53: {  	p0 =	sne.s32 s1, $0x0;
	_ =	strace $0x90000047  }
0x54: {  	s0 =	sadd.s32 @!p0 $0x100000, s0;
	[bflag:$0x2] =	sbarrier.arrive $0xFFFF  }
0x55: {  	[sflag:s0] =	ssyncadd.tile.s32 @!p0 $0x1;
	_ =	shalt  }
.Lfunc_end2:
_tile_overlayer_lowered:
.L_overlay_start_2:
0x56: {  	(tag) =	ssettag $0x2  }
0x57: {  	s0 =	rddreg [dreg:$0x0];
	s2 =	stileid.u32  }
0x58: {  	s1 =	rddreg [dreg:$0x1];
	p0 =	sne.s32 s2, $0x0  }
0x59: {  	s3 =	rddreg [dreg:$0x2];
	[bflag:$0x3] =	sbarrier.arrive $0xFFFF;
	s2 =	simm.s32 @!p0 $0x1C05  }
0x5a: {  	[timem:s3], [sflag:s2] =	dma.local @!p0 [hbm:s0], s1  }
0x5b: {  	s0 =	simm.s32 @!p0 $0x5  }
0x5c: {  	_ =	swait.ge @!p0 [sflag:s0], s1  }
0x5d: {  	s1 =	ssub.s32 @!p0 $0x0, s1;
	[sflag:s0] =	ssyncset.done @!p0 $0x0  }
0x5e: {  	[sflag:s0] =	ssyncadd.s32 @!p0 s1  }
0x5f: {  	[bflag:$0x3] =	sbarrier.arrive $0xFFFF  }
0x60: {  	_ =	shalt  }

// kernel: kernel.7.cloned.1.call-start
scs
__scs_entry_jumppad:
0x0: {  	(pc) =	sbr.rel $0x88, $3  }
0x1: {  	(tag) =	ssettag $0x0;
	lr =	simm.s32 $0x1  }
0x2: {  	[smem:$0x3F98] =	sst lr;
	_ =	strace $0xD0000000  }
0x3: {  	_ = 	snop  }
0x4: {  	_ = 	snop  }
0x5: {  	_ = 	snop  }
0x6: {  	_ = 	snop  }
0x7: {  	_ = 	snop  }
__scs_overlays_trampoline_lowered:
0x8: {  	[smem:$0x3FA7] =	sst s0  }
0x9: {  	[smem:$0x3FA8] =	sst s1  }
0xa: {  	[smem:$0x3FA9] =	sst s2  }
0xb: {  	[smem:$0x3FAA] =	sst s3  }
0xc: {  	[smem:$0x3FAB] =	sst s4  }
0xd: {  	[smem:$0x3FAC] =	sst s5  }
0xe: {  	[smem:$0x3FAD] =	sst s6  }
0xf: {  	[smem:$0x3FAE] =	sst s7  }
0x10: {  	[smem:$0x3FAF] =	sst s8  }
0x11: {  	[smem:$0x3FB0] =	sst s9;
	s0 =	simm.s32 @!p0 $0x0  }
0x12: {  	s1 =	sld [smem:$0x3F96];
	s0 =	simm.s32 @p0 $0x1  }
0x13: {  	[smem:$0x3FB1] =	sst s0;
	s0 =	simm.s32 @!p1 $0x0  }
0x14: {  	s2 =	sld [smem:$0x3F95];
	s0 =	simm.s32 @p1 $0x1  }
0x15: {  	[smem:$0x3FB2] =	sst s0;
	s0 =	simm.s32 @!p2 $0x0  }
0x16: {  	s3 =	sld [smem:$0x3FDB];
	s0 =	simm.s32 @p2 $0x1  }
0x17: {  	s4 =	simm.s32 $0x1BF5;
	[smem:$0x3FB4] =	sst s0  }
0x18: {  	s0 =	sld [smem:$0x3F97];
	_ =	swait.ge [sflag:s4], $0x0  }
0x19: {  	s7 =	sld [smem:$0x3F98]  }
0x1a: {  	s8 =	sadd.s32 $0xFFFFE003, lr  }
0x1b: {  	s9 =	sadd.s32 $0xFFFFFEF7, lr;
	s5 =	simm.s32 $0xFFFFFFFF;
	p2 =	slt.u32 s8, $0xFFFFF086  }
0x1c: {  	p1 =	slt.u32 s9, $0xF7A;
	s5 =	simm.s32 @!p2 $0x0  }
0x1d: {  	s5 =	simm.s32 @p1 $0x1;
	p0 =	seq.s32 s7, s2  }
0x1e: {  	s7 =	smul.u32 @!p0 $0xF7A, s2;
	p2 =	seq.s32 @!p0 s5, $0x0  }
0x1f: {  	s9 =	smul.u32 $0xF7A, s1;
	s8 =	simm.s32 @!p0 $0x1BF5;
	p2 =	por !p2, p0  }
0x20: {  	[sflag:s8] =	ssyncset.s32 @!p0 $0xFFFFF086;
	s6 =	sadd.s32 @!p0 s3, s7;
	s7 =	simm.s32 @!p0 $0x108  }
0x21: {  	s3 =	sadd.s32 s3, s9;
	s6 =	sadd.s32 @!p0 $0x88, s6;
	s7 =	simm.s32 @p2 $0x1082  }
0x22: {  	[simem:s7], [sflag:s8] =	dma.local @!p0 [hbm:s6], $0xF7A  }
0x23: {  	s9 =	sor.u32 $0xD0000000, s2;
	s6 =	simm.s32 $0x108;
	_ =	swait.ge @!p0 [sflag:s8], $0x0  }
0x24: {  	s3 =	sadd.s32 $0x88, s3;
	s6 =	simm.s32 @!p1 $0x1082;
	[sflag:s4] =	ssyncset.s32 $0xFFFFF086  }
0x25: {  	[simem:s6], [sflag:s4] =	dma.local [hbm:s3], $0xF7A  }
0x26: {  	[smem:$0x3F98] =	sst s1;
	(tag) =	ssettag s2;
	_ =	strace s9  }
0x27: {  	s1 =	sld [smem:$0x3FA8]  }
0x28: {  	s2 =	sld [smem:$0x3FA9]  }
0x29: {  	s4 =	sld [smem:$0x3FAB]  }
0x2a: {  	p0 =	seq.s32 s5, $0x0;
	s5 =	sld [smem:$0x3FAC]  }
0x2b: {  	s6 =	sld [smem:$0x3FAD]  }
0x2c: {  	s7 =	sld [smem:$0x3FAE]  }
0x2d: {  	s3 =	simm.s32 $0x108;
	s8 =	sld [smem:$0x3FAF]  }
0x2e: {  	s3 =	simm.s32 @!p0 $0x1082;
	s9 =	sld [smem:$0x3FB0]  }
0x2f: {  	lr =	sadd.s32 s0, s3;
	s0 =	sld [smem:$0x3FA7]  }
0x30: {  	s3 =	sld [smem:$0x3FAA]  }
0x31: {  	[smem:$0x3FB3] =	sst s10  }
0x32: {  	s10 =	sld [smem:$0x3FB1];
	_ =	sdelay $0x3  }
0x33: {  	p0 =	seq.s32 s10, $0x1;
	s10 =	sld [smem:$0x3FB3];
	_ =	sdelay $0x3  }
0x34: {  	[smem:$0x3FB3] =	sst s10  }
0x35: {  	s10 =	sld [smem:$0x3FB2];
	_ =	sdelay $0x3  }
0x36: {  	p1 =	seq.s32 s10, $0x1;
	s10 =	sld [smem:$0x3FB3];
	_ =	sdelay $0x3  }
0x37: {  	[smem:$0x3FB3] =	sst s10  }
0x38: {  	s10 =	sld [smem:$0x3FB4]  }
0x39: {  	_ = 	snop;
	(pc) =	sbr.ind lr, $3  }
0x3a: {  	_ = 	snop  }
0x3b: {  	_ = 	snop  }
0x3c: {  	p2 =	seq.s32 s10, $0x1;
	s10 =	sld [smem:$0x3FB3]  }
0x3d: {  	_ =	shalt  }
0x3e: {  	_ =	shalt  }
0x3f: {  	_ =	shalt  }
0x40: {  	_ =	shalt  }
0x41: {  	_ =	shalt  }
0x42: {  	_ =	shalt  }
0x43: {  	_ =	shalt  }
0x44: {  	_ =	shalt  }
0x45: {  	_ =	shalt  }
0x46: {  	_ =	shalt  }
0x47: {  	_ =	shalt  }
0x48: {  	_ =	shalt  }
0x49: {  	_ =	shalt  }
0x4a: {  	_ =	shalt  }
0x4b: {  	_ =	shalt  }
0x4c: {  	_ =	shalt  }
0x4d: {  	_ =	shalt  }
0x4e: {  	_ =	shalt  }
0x4f: {  	_ =	shalt  }
0x50: {  	_ =	shalt  }
0x51: {  	_ =	shalt  }
0x52: {  	_ =	shalt  }
0x53: {  	_ =	shalt  }
0x54: {  	_ =	shalt  }
0x55: {  	_ =	shalt  }
0x56: {  	_ =	shalt  }
0x57: {  	_ =	shalt  }
0x58: {  	_ =	shalt  }
0x59: {  	_ =	shalt  }
0x5a: {  	_ =	shalt  }
0x5b: {  	_ =	shalt  }
0x5c: {  	_ =	shalt  }
0x5d: {  	_ =	shalt  }
0x5e: {  	_ =	shalt  }
0x5f: {  	_ =	shalt  }
0x60: {  	_ =	shalt  }
0x61: {  	_ =	shalt  }
0x62: {  	_ =	shalt  }
0x63: {  	_ =	shalt  }
0x64: {  	_ =	shalt  }
0x65: {  	_ =	shalt  }
0x66: {  	_ =	shalt  }
0x67: {  	_ =	shalt  }
0x68: {  	_ =	shalt  }
0x69: {  	_ =	shalt  }
0x6a: {  	_ =	shalt  }
0x6b: {  	_ =	shalt  }
0x6c: {  	_ =	shalt  }
0x6d: {  	_ =	shalt  }
0x6e: {  	_ =	shalt  }
0x6f: {  	_ =	shalt  }
0x70: {  	_ =	shalt  }
0x71: {  	_ =	shalt  }
0x72: {  	_ =	shalt  }
0x73: {  	_ =	shalt  }
0x74: {  	_ =	shalt  }
0x75: {  	_ =	shalt  }
0x76: {  	_ =	shalt  }
0x77: {  	_ =	shalt  }
0x78: {  	_ =	shalt  }
0x79: {  	_ =	shalt  }
0x7a: {  	_ =	shalt  }
0x7b: {  	_ =	shalt  }
0x7c: {  	_ =	shalt  }
0x7d: {  	_ =	shalt  }
0x7e: {  	_ =	shalt  }
0x7f: {  	_ =	shalt  }
0x80: {  	_ =	shalt  }
0x81: {  	_ =	shalt  }
0x82: {  	_ =	shalt  }
0x83: {  	_ =	shalt  }
0x84: {  	_ =	shalt  }
0x85: {  	_ =	shalt  }
0x86: {  	_ =	shalt  }
0x87: {  	_ =	shalt  }
.Lfunc_end0:
.L_simem_size_0:
called_computation_lowered:
.L_overlay_start_0:
0x88: {  	s2 =	sld [smem:$0x3FD9]  }
0x89: {  	s3 =	sld [smem:$0x3FFE];
	_ =	sdelay $0x1  }
0x8a: {  	s1 =	srdreg.scid  }
0x8b: {  	s0 =	sand.u32 $0x1, s1  }
0x8c: {  	s17 =	sshll.u32 s0, $0xA;
	s2 =	sadd.s32 s3, s2  }
0x8d: {  	s2 =	sadd.s32 s2, s17  }
0x8e: {  	[smem:$0x3FBF] =	sst s2  }
0x8f: {  	_ = 	snop  }
0x90: {  	s18 =	sld [smem:$0x3FD0];
	(tm) =	ssettm $0x1  }
0x91: {  	s19 =	sld [smem:$0x3FFB];
	_ =	sdelay $0x3  }
0x92: {  	_ =	strace s19  }
0x93: {  	s2 =	sld [smem:$0x3FFC];
	_ =	sdelay $0x3  }
0x94: {  	_ =	strace s2  }
0x95: {  	s2 =	sld [smem:$0x3FFD];
	_ =	sdelay $0x3  }
0x96: {  	_ =	strace s2  }
0x97: {  	_ =	strace $0x8FFFFFFF  }
0x98: {  	s20 =	sld [smem:$0x3FDB];
	_ =	sdelay $0x1  }
0x99: {  	s4 =	simm.s32 $_scs_section_size  }
0x9a: {  	s5 =	simm.s32 $_size__tile_overlayer_lowered;
	s6 =	simm.s32 $_tile_overlayer_lowered  }
0x9b: {  	s7 =	simm.s32 $0x1BFF;
	s21 =	sshll.u32 s6, $0x1;
	s4 =	sadd.s32 s4, s20  }
0x9c: {  	s22 =	simm.s32 $0x0;
	s5 =	sshll.u32 s5, $0x1;
	s6 =	sadd.s32 s21, s4  }
0x9d: {  	[timem:s22], [sflag:s7] =	dma.local [hbm:s6], s5  }
0x9e: {  	_ =	swait.ge [sflag:s7], s5  }
0x9f: {  	s5 =	ssub.s32 $0x0, s5;
	[sflag:s7] =	ssyncset.done $0x0  }
0xa0: {  	[sflag:s7] =	ssyncadd.s32 s5;
	_ =	sdelay $0x1  }
0xa1: {  	s23 =	simm.s32 $0x1B8B  }
0xa2: {  	_ =	swait.ge [sflag:s23], $0x1  }
0xa3: {  	[sflag:s23] =	ssyncset.done $0x0  }
0xa4: {  	[sflag:s23] =	ssyncadd.s32 $0xFFFFFFFF  }
0xa5: {  	s5 =	sld [smem:$0x0]  }
0xa6: {  	s6 =	sand.u32 $0xFFFFFFFE, s1  }
0xa7: {  	p0 =	sne.s32 s1, s6  }
0xa8: {  	s6 =	sshll.u32 @p0 s6, $0xE  }
0xa9: {  	s6 =	sadd.s32 @p0 $0x11B8D, s6;
	s7 =	sshll.u32 @p0 s5, $0x11  }
0xaa: {  	s6 =	sor.u32 @p0 s7, s6  }
0xab: {  	[sflag:s6] =	ssyncadd.remote.s32 @p0 $0x1;
	_ =	sdelay $0x1  }
0xac: {  	s6 =	simm.s32 @p0 $0x1B8D  }
0xad: {  	_ =	swait.eq @p0 [sflag:s6], $0x1  }
0xae: {  	[sflag:s6] =	ssyncadd.s32 @p0 $0xFFFFFFFF  }
0xaf: {  	s7 =	sshll.u32 @!p0 s1, $0xE  }
0xb0: {  	s7 =	sor.u32 @!p0 $0x4000, s7;
	s6 =	simm.s32 @!p0 $0x1B8D  }
0xb1: {  	s5 =	sshll.u32 @!p0 s5, $0x11;
	s7 =	sadd.s32 @!p0 $0x11B8D, s7;
	_ =	swait.eq @!p0 [sflag:s6], $0x1  }
0xb2: {  	s5 =	sor.u32 @!p0 s5, s7;
	[sflag:s6] =	ssyncadd.s32 @!p0 $0xFFFFFFFF  }
0xb3: {  	s25 =	simm.s32 $0x1B8E;
	s24 =	sld [smem:$0x3FFE];
	[sflag:s5] =	ssyncadd.remote.s32 @!p0 $0x1  }
0xb4: {  	s26 =	simm.s32 $execute0_lowered;
	[smem:$0x3FD2] =	sst s25  }
0xb5: {  	s6 =	sshll.u32 s26, $0x1;
	_ =	strace $0x80000049;
	[dreg:$0x1] =	wrdreg $0xFFFFFFFF  }
0xb6: {  	s28 =	simm.s32 $_size_execute0_lowered;
	s4 =	sadd.s32 s4, s6;
	[dreg:$0x0] =	wrdreg $0x0  }
0xb7: {  	s6 =	sshll.u32 s28, $0x1;
	[dreg:$0x2] =	wrdreg s4  }
0xb8: {  	[dreg:$0x3] =	wrdreg s6  }
0xb9: {  	[dreg:$0x4] =	wrdreg $0xC0  }
0xba: {  	_ =	task [dreg:s22], $0x5FFFF  }
0xbb: {  	[dreg:$0x1] =	wrdreg $0xFFFFFFFF  }
0xbc: {  	[dreg:$0x0] =	wrdreg $0x60  }
0xbd: {  	[dreg:$0x2] =	wrdreg s18  }
0xbe: {  	[dreg:$0x3] =	wrdreg s24  }
0xbf: {  	[dreg:$0x4] =	wrdreg $0x9  }
0xc0: {  	_ =	task.clear_ibuf [dreg:s22], $0x5FFFF;
	_ =	strace $0x90000049  }
0xc1: {  	s29 =	simm.s32 $0x9;
	_ =	strace $0x8000004B  }
0xc2: {  	_ =	swait.ge [sflag:s29], $0x1  }
0xc3: {  	[sflag:s29] =	ssyncadd.s32 $0xFFFFFFFF  }
0xc4: {  	_ =	strace $0x9000004B  }
0xc5: {  	_ =	sfence  }
0xc6: {  	s30 =	sld [smem:$0x0];
	_ =	sdelay $0x2  }
0xc7: {  	s31 =	sshll.u32 s1, $0xD;
	s1 =	sshrl.u32 s1, $0x2  }
0xc8: {  	s4 =	sand.u32 $0x4000, s31;
	s1 =	sadd.s32 s1, s30  }
0xc9: {  	s0 =	sor.u32 s4, s0;
	s1 =	sshll.u32 s1, $0x11  }
0xca: {  	s0 =	sor.u32 s1, s0  }
0xcb: {  	s0 =	sadd.s32 $0x8F2B, s0  }
0xcc: {  	[sflag:s0] =	ssyncadd.remote.s32 $0x1  }
0xcd: {  	_ =	sfence.sel $0xFFFF  }
0xce: {  	[dreg:$0x0] =	wrdreg $0xFFFFFFFF;
	(pc) =	sbr.abs _section_cstart, $3  }
0xcf: {  	[dreg:$0x1] =	wrdreg $0xFFFFFFFF  }
0xd0: {  	_ =	task.clear_ibuf [dreg:s22], $0x2FFFF;
	_ =	strace $0x9FFFFFFF  }
0xd1: {  	(tm) =	ssettm $0x7FFFFFFF  }
tec
execute0_lowered:
.L_overlay_start_1:
0x0: {  	(tag) =	ssettag $0x1  }
0x1: {  	s3 =	rddreg [dreg:$0x0]  }
0x2: {  	s10 =	rddreg [dreg:$0x1];
	s1 =	srdreg.scid  }
0x3: {  	s0 =	rddreg [dreg:$0x2];
	s18 =	sand.u32 $0x1, s1  }
0x4: {  	s2 =	simm.s32 $0x0;
	s1 =	stileid.u32;
	s4 =	sshll.u32 s18, $0x6  }
0x5: {  	[smem:$0x7FF] =	sst s2;
	s5 =	sshll.u32 s1, $0x7;
	s3 =	sadd.s32 s3, s4  }
0x6: {  	_ =	strace $0x8000004A;
	s4 =	simm.s32 $0x5;
	s3 =	sadd.s32 s5, s3  }
0x7: {  	[tilespmem:s2], [sflag:$0x5] =	stream.linear.gather [hbm4b:s3+s2], $0x200, $0x38;
	[tilespmem:$0x8200] =	vst v63  }
0x8: {  	_ =	swait.ge [sflag:s4], $0x200  }
0x9: {  	s6 =	simm.s32 $0x80;
	s7 =	simm.s32 $0x200;
	[sflag:s4] =	ssyncset.done $0x0  }
0xa: {  	s8 =	simm.s32 $0x4200;
	s5 =	sadd.s32 $0x41B400, s10;
	[sflag:s4] =	ssyncadd.s32 $0xFFFFFE00  }
0xb: {  	[tilespmem:s7], [sflag:$0x1] =	stream.indirect.gather [hbm4b:s5+s6], $0x80, s2, s6, $0xb8;
	[tilespmem:$0x8200] =	vst v63  }
0xc: {  	s9 =	simm.s32 $0x1;
	s11 =	sshll.u32 s1, $0xE;
	s12 =	sshll.u32 s18, $0xD  }
0xd: {  	[tilespmem:s8], [sflag:$0x2] =	stream.indirect.gather [hbm4b:s5+s6], $0x80, s6, s6, $0xb8;
	[tilespmem:$0x8200] =	vst v63  }
0xe: {  	s11 =	sor.u32 s12, s11;
	_ =	swait.ge [sflag:s9], $0x4000  }
0xf: {  	s19 =	sadd.s32 s11, s10;
	[sflag:s9] =	ssyncset.done $0x0  }
0x10: {  	s11 =	simm.s32 $0x3;
	s10 =	sadd.s32 $0x7F3400, s19;
	[sflag:s9] =	ssyncadd.s32 $0xFFFFC000  }
0x11: {  	[hbm4b:s10+s2] =	stream.linear.scatter [tilespmem:s7], [sflag:$0x3], $0x4000, $0x38;
	[tilespmem:$0x8200] =	vst v63  }
0x12: {  	_ =	swait.ge [sflag:s11], $0x4000  }
0x13: {  	[sflag:s11] =	ssyncset.done $0x0  }
0x14: {  	s13 =	simm.s32 $0x2;
	s12 =	simm.s32 $0x100;
	[sflag:s11] =	ssyncadd.s32 $0xFFFFC000  }
0x15: {  	[tilespmem:s7], [sflag:$0x1] =	stream.indirect.gather [hbm4b:s5+s6], $0x80, s12, s6, $0xb8;
	[tilespmem:$0x8200] =	vst v63  }
0x16: {  	_ =	swait.ge [sflag:s13], $0x4000  }
0x17: {  	[sflag:s13] =	ssyncset.done $0x0  }
0x18: {  	s14 =	simm.s32 $0x4;
	s15 =	sadd.s32 $0x7F3C00, s19;
	[sflag:s13] =	ssyncadd.s32 $0xFFFFC000  }
0x19: {  	[hbm4b:s15+s2] =	stream.linear.scatter [tilespmem:s8], [sflag:$0x4], $0x4000, $0x38;
	[tilespmem:$0x8200] =	vst v63  }
0x1a: {  	_ =	swait.ge [sflag:s14], $0x4000  }
0x1b: {  	[sflag:s14] =	ssyncset.done $0x0  }
0x1c: {  	s16 =	simm.s32 $0x180;
	[sflag:s14] =	ssyncadd.s32 $0xFFFFC000  }
0x1d: {  	[tilespmem:s8], [sflag:$0x2] =	stream.indirect.gather [hbm4b:s5+s6], $0x80, s16, s6, $0xb8;
	[tilespmem:$0x8200] =	vst v63  }
0x1e: {  	_ =	swait.ge [sflag:s9], $0x4000  }
0x1f: {  	s20 =	ssub.s32 $0x2, s18;
	[sflag:s9] =	ssyncset.done $0x0  }
0x20: {  	s31 =	sshrl.u32 s20, $0x1;
	s17 =	sadd.s32 $0x7F4400, s19;
	[sflag:s9] =	ssyncadd.s32 $0xFFFFC000  }
0x21: {  	[hbm4b:s17+s2] =	stream.linear.scatter [tilespmem:s7], [sflag:$0x3], $0x4000, $0x38;
	[tilespmem:$0x8200] =	vst v63  }
0x22: {  	s18 =	sadd.s32 $0x7F4C00, s19;
	s19 =	ssub.s32 s20, s31;
	_ =	swait.ge [sflag:s13], $0x4000  }
0x23: {  	s19 =	smax.u32 s19, $0x1;
	[sflag:s13] =	ssyncset.done $0x0  }
0x24: {  	p0 =	sne.s32 s19, $0x1;
	[sflag:s13] =	ssyncadd.s32 $0xFFFFC000  }
0x25: {  	[hbm4b:s18+s2] =	stream.linear.scatter [tilespmem:s8], [sflag:$0x4], $0x4000, $0x38;
	[tilespmem:$0x8200] =	vst v63  }
.Ltmp0:
0x26: {  	_ =	swait.ge [sflag:s11], $0x4000;
	(pc) =	sbr.rel @!p0 .LBB2_2-.Ltmp0, $4  }
0x27: {  	[sflag:s11] =	ssyncset.done $0x0  }
0x28: {  	[sflag:s11] =	ssyncadd.s32 $0xFFFFC000  }
0x29: {  	_ =	swait.ge [sflag:s14], $0x4000  }
0x2a: {  	s19 =	sadd.s32 $0xFFFFFFFF, s19;
	[sflag:s14] =	ssyncset.done $0x0  }
.LBB2_1:
0x2b: {  	p0 =	sne.s32 s19, $0x1;
	s19 =	sadd.s32 $0xFFFFFFFF, s19;
	[sflag:s14] =	ssyncadd.s32 $0xFFFFC000  }
0x2c: {  	[tilespmem:s2], [sflag:$0x5] =	stream.linear.gather [hbm4b:s3+s2], $0x200, $0x38;
	[tilespmem:$0x8200] =	vst v63  }
0x2d: {  	_ =	swait.ge [sflag:s4], $0x200  }
0x2e: {  	[sflag:s4] =	ssyncset.done $0x0  }
0x2f: {  	[sflag:s4] =	ssyncadd.s32 $0xFFFFFE00  }
0x30: {  	[tilespmem:s7], [sflag:$0x1] =	stream.indirect.gather [hbm4b:s5+s6], $0x80, s2, s6, $0xb8;
	[tilespmem:$0x8200] =	vst v63  }
0x31: {  	_ = 	snop  }
0x32: {  	[tilespmem:s8], [sflag:$0x2] =	stream.indirect.gather [hbm4b:s5+s6], $0x80, s6, s6, $0xb8;
	[tilespmem:$0x8200] =	vst v63  }
0x33: {  	_ =	swait.ge [sflag:s9], $0x4000  }
0x34: {  	[sflag:s9] =	ssyncset.done $0x0  }
0x35: {  	[sflag:s9] =	ssyncadd.s32 $0xFFFFC000  }
0x36: {  	[hbm4b:s10+s2] =	stream.linear.scatter [tilespmem:s7], [sflag:$0x3], $0x4000, $0x38;
	[tilespmem:$0x8200] =	vst v63  }
0x37: {  	_ =	swait.ge [sflag:s11], $0x4000  }
0x38: {  	[sflag:s11] =	ssyncset.done $0x0  }
0x39: {  	[sflag:s11] =	ssyncadd.s32 $0xFFFFC000  }
0x3a: {  	[tilespmem:s7], [sflag:$0x1] =	stream.indirect.gather [hbm4b:s5+s6], $0x80, s12, s6, $0xb8;
	[tilespmem:$0x8200] =	vst v63  }
0x3b: {  	_ =	swait.ge [sflag:s13], $0x4000  }
0x3c: {  	[sflag:s13] =	ssyncset.done $0x0  }
0x3d: {  	[sflag:s13] =	ssyncadd.s32 $0xFFFFC000  }
0x3e: {  	[hbm4b:s15+s2] =	stream.linear.scatter [tilespmem:s8], [sflag:$0x4], $0x4000, $0x38;
	[tilespmem:$0x8200] =	vst v63  }
0x3f: {  	_ =	swait.ge [sflag:s14], $0x4000  }
0x40: {  	[sflag:s14] =	ssyncset.done $0x0  }
0x41: {  	[sflag:s14] =	ssyncadd.s32 $0xFFFFC000  }
0x42: {  	[tilespmem:s8], [sflag:$0x2] =	stream.indirect.gather [hbm4b:s5+s6], $0x80, s16, s6, $0xb8;
	[tilespmem:$0x8200] =	vst v63  }
0x43: {  	_ =	swait.ge [sflag:s9], $0x4000  }
0x44: {  	[sflag:s9] =	ssyncset.done $0x0  }
0x45: {  	[sflag:s9] =	ssyncadd.s32 $0xFFFFC000  }
0x46: {  	[hbm4b:s17+s2] =	stream.linear.scatter [tilespmem:s7], [sflag:$0x3], $0x4000, $0x38;
	[tilespmem:$0x8200] =	vst v63  }
0x47: {  	_ =	swait.ge [sflag:s13], $0x4000  }
0x48: {  	[sflag:s13] =	ssyncset.done $0x0  }
0x49: {  	[sflag:s13] =	ssyncadd.s32 $0xFFFFC000  }
0x4a: {  	[hbm4b:s18+s2] =	stream.linear.scatter [tilespmem:s8], [sflag:$0x4], $0x4000, $0x38;
	[tilespmem:$0x8200] =	vst v63  }
.Ltmp1:
0x4b: {  	_ =	swait.ge [sflag:s11], $0x4000;
	(pc) =	sbr.rel @p0 .LBB2_1-.Ltmp1, $4  }
0x4c: {  	[sflag:s11] =	ssyncset.done $0x0  }
0x4d: {  	[sflag:s11] =	ssyncadd.s32 $0xFFFFC000  }
0x4e: {  	_ =	swait.ge [sflag:s14], $0x4000  }
0x4f: {  	[sflag:s14] =	ssyncset.done $0x0  }
.LBB2_2:
0x50: {  	[sflag:s14] =	ssyncadd.s32 $0xFFFFC000  }
0x51: {  	_ =	sfence.sel $0x180000  }
0x52: {  	[bflag:$0x0] =	sbarrier.arrive $0xFFFF  }
0x53: {  	p0 =	sne.s32 s1, $0x0;
	_ =	strace $0x9000004A  }
0x54: {  	s0 =	sadd.s32 @!p0 $0x100000, s0;
	[bflag:$0x2] =	sbarrier.arrive $0xFFFF  }
0x55: {  	[sflag:s0] =	ssyncadd.tile.s32 @!p0 $0x1;
	_ =	shalt  }
.Lfunc_end2:
_tile_overlayer_lowered:
.L_overlay_start_2:
0x56: {  	(tag) =	ssettag $0x2  }
0x57: {  	s0 =	rddreg [dreg:$0x0];
	s2 =	stileid.u32  }
0x58: {  	s1 =	rddreg [dreg:$0x1];
	p0 =	sne.s32 s2, $0x0  }
0x59: {  	s3 =	rddreg [dreg:$0x2];
	[bflag:$0x3] =	sbarrier.arrive $0xFFFF;
	s2 =	simm.s32 @!p0 $0x1C05  }
0x5a: {  	[timem:s3], [sflag:s2] =	dma.local @!p0 [hbm:s0], s1  }
0x5b: {  	s0 =	simm.s32 @!p0 $0x5  }
0x5c: {  	_ =	swait.ge @!p0 [sflag:s0], s1  }
0x5d: {  	s1 =	ssub.s32 @!p0 $0x0, s1;
	[sflag:s0] =	ssyncset.done @!p0 $0x0  }
0x5e: {  	[sflag:s0] =	ssyncadd.s32 @!p0 s1  }
0x5f: {  	[bflag:$0x3] =	sbarrier.arrive $0xFFFF  }
0x60: {  	_ =	shalt  }

</sc_bundles>
